<compile_context>
chip_gen: v7x
topology: tpu7x:2x2x1
jax: 0.10.2.dev20260603
libtpu: 0.0.44.dev20260713+nightly
codegen_flags: <defaults>
</compile_context>

<pallas_src>
import jax
import jax.numpy as jnp
from jax import lax
from jax.experimental import pallas as pl
from jax.experimental.pallas import tpu as pltpu
from jax.experimental.pallas import tpu_sc as plsc

DIM = 33
TAB = DIM * DIM * DIM
NCH = 3
NC, NS, L = 2, 16, 16
NW = NC * NS
NIMG = 16
PIX = 512 * 512
WPI = NW // NIMG
PW = PIX // WPI
CHUNK = 2048
NCHUNK = PW // CHUNK
NVEC = CHUNK // L

_SCALE = (DIM - 1) / 1.000001


def _body(lut_hbm, x_hbm, out_hbm, lut_v, in_v, out_v):
    wid = lax.axis_index("s") * NC + lax.axis_index("c")
    n = wid // WPI
    half = wid % WPI
    pltpu.sync_copy(lut_hbm, lut_v)

    def chunk_body(i, carry):
        start = half * PW + i * CHUNK
        for ch in range(NCH):
            pltpu.sync_copy(x_hbm.at[pl.ds((n * NCH + ch) * PIX + start, CHUNK)],
                            in_v.at[pl.ds(ch * CHUNK, CHUNK)])

        def vec_body(v, c2):
            off = v * L
            r = in_v[pl.ds(off, L)]
            g = in_v[pl.ds(CHUNK + off, L)]
            b = in_v[pl.ds(2 * CHUNK + off, L)]
            tr = r * _SCALE
            tg = g * _SCALE
            tb = b * _SCALE
            ri = tr.astype(jnp.int32)
            gi = tg.astype(jnp.int32)
            bi = tb.astype(jnp.int32)
            rd = tr - ri.astype(jnp.float32)
            gd = tg - gi.astype(jnp.float32)
            bd = tb - bi.astype(jnp.float32)
            base = ri + gi * DIM + bi * (DIM * DIM)
            ids = [
                base,
                base + 1,
                base + DIM,
                base + DIM + 1,
                base + DIM * DIM,
                base + DIM * DIM + 1,
                base + DIM * DIM + DIM,
                base + DIM * DIM + DIM + 1,
            ]
            r0 = 1.0 - rd
            g0 = 1.0 - gd
            b0 = 1.0 - bd
            a00 = g0 * b0
            a10 = gd * b0
            a01 = g0 * bd
            a11 = gd * bd
            w = [r0 * a00, rd * a00, r0 * a10, rd * a10,
                 r0 * a01, rd * a01, r0 * a11, rd * a11]
            for ch in range(NCH):
                coff = ch * TAB
                acc = w[0] * plsc.load_gather(lut_v, [ids[0] + coff])
                for k in range(1, 8):
                    acc = acc + w[k] * plsc.load_gather(lut_v, [ids[k] + coff])
                out_v[pl.ds(ch * CHUNK + off, L)] = acc
            return c2

        lax.fori_loop(0, NVEC, vec_body, 0)
        for ch in range(NCH):
            pltpu.sync_copy(out_v.at[pl.ds(ch * CHUNK, CHUNK)],
                            out_hbm.at[pl.ds((n * NCH + ch) * PIX + start, CHUNK)])
        return carry

    lax.fori_loop(0, NCHUNK, chunk_body, 0)


def kernel(LUT, x):
    lut_flat = LUT.reshape(NCH * TAB)
    x3 = x.reshape(NIMG * NCH * PIX)
    mesh = plsc.VectorSubcoreMesh(core_axis_name="c", subcore_axis_name="s")
    f = pl.kernel(
        _body,
        out_type=jax.ShapeDtypeStruct((NIMG * NCH * PIX,), jnp.float32),
        mesh=mesh,
        compiler_params=pltpu.CompilerParams(needs_layout_passes=False),
        scratch_types=[
            pltpu.VMEM((NCH * TAB,), jnp.float32),
            pltpu.VMEM((NCH * CHUNK,), jnp.float32),
            pltpu.VMEM((NCH * CHUNK,), jnp.float32),
        ],
    )
    out = f(lut_flat, x3)
    return out.reshape(NIMG, NCH, 512, 512)

# --- scband reference (transcript-rebuilt; emitter-appended) ---
"""Pipeline reference for scband-lut3-d-15315853377720 (READ-ONLY COPY).

The authoritative reference and input builder live on the scoring server;
editing this copy changes nothing except your own understanding.
"""

import jax, jax.numpy as jnp
import numpy as np


def setup_inputs(seed: int = 0) -> dict:
    key = jax.random.key(seed)
    k1, k2 = jax.random.split(key)
    x = jax.random.uniform(k1, (16, 3, 512, 512), dtype=jnp.float32)
    # Learned parameter: identity-ish LUT initialized to ones, per Lut3D.__init__
    LUT = jnp.ones((3, 33, 33, 33), dtype=jnp.float32)
    return {"LUT": LUT, "x": x}


def _trilinear(LUT, x):
    dim = LUT.shape[-1]
    binsize = 1.000001 / (dim - 1)
    # Flatten each channel's LUT; CUDA kernel indexes as r + g*dim + b*dim*dim
    lut_flat = LUT.reshape(3, -1)
    r = x[:, 0]
    g = x[:, 1]
    b = x[:, 2]
    r_id = jnp.floor(r / binsize).astype(jnp.int32)
    g_id = jnp.floor(g / binsize).astype(jnp.int32)
    b_id = jnp.floor(b / binsize).astype(jnp.int32)
    r_d = jnp.mod(r, binsize) / binsize
    g_d = jnp.mod(g, binsize) / binsize
    b_d = jnp.mod(b, binsize) / binsize
    id000 = r_id + g_id * dim + b_id * dim * dim
    id100 = id000 + 1
    id010 = id000 + dim
    id110 = id000 + dim + 1
    id001 = id000 + dim * dim
    id101 = id000 + dim * dim + 1
    id011 = id000 + dim * dim + dim
    id111 = id000 + dim * dim + dim + 1
    w000 = (1 - r_d) * (1 - g_d) * (1 - b_d)
    w100 = r_d * (1 - g_d) * (1 - b_d)
    w010 = (1 - r_d) * g_d * (1 - b_d)
    w110 = r_d * g_d * (1 - b_d)
    w001 = (1 - r_d) * (1 - g_d) * b_d
    w101 = r_d * (1 - g_d) * b_d
    w011 = (1 - r_d) * g_d * b_d
    w111 = r_d * g_d * b_d
    outs = []
    for c in range(3):
        tab = lut_flat[c]
        o = (w000 * jnp.take(tab, id000)
             + w100 * jnp.take(tab, id100)
             + w010 * jnp.take(tab, id010)
             + w110 * jnp.take(tab, id110)
             + w001 * jnp.take(tab, id001)
             + w101 * jnp.take(tab, id101)
             + w011 * jnp.take(tab, id011)
             + w111 * jnp.take(tab, id111))
        outs.append(o)
    return jnp.stack(outs, axis=1)


def reference(LUT, x):
    return _trilinear(LUT, x)

if __name__ == "__main__":
    import jax
    _d = setup_inputs()
    print(jax.jit(kernel)(*tuple(_d.values())))

</pallas_src>

<mosaic_0001>
#map = affine_map<(d0, d1) -> (0)>
module attributes {stable_mosaic.version = 14 : i64} {
  func.func @_body(%arg0: i32, %arg1: i32, %arg2: memref<107811xf32, #tpu.memory_space<hbm>>, %arg3: memref<12582912xf32, #tpu.memory_space<hbm>>, %arg4: memref<12582912xf32, #tpu.memory_space<hbm>>, %arg5: memref<107811xf32, #tpu.memory_space<vmem>>, %arg6: memref<6144xf32, #tpu.memory_space<vmem>>, %arg7: memref<6144xf32, #tpu.memory_space<vmem>>) attributes {dimension_semantics = [#tpu.dimension_semantics<core_parallel>, #tpu.dimension_semantics<subcore_parallel>], iteration_bounds = array<i64: 2, 16>, scalar_prefetch = 0 : i64, scratch_operands = 3 : i64, tpu.core_type = #tpu.core_type<sc_vector_subcore>, window_params = [{transform_indices = #map}, {transform_indices = #map}, {transform_indices = #map}]} {
    %mul3A = arith.constant 2 : i32
    %mul3A_0 = arith.muli %arg1, %mul3A : i32
    %add3A = arith.addi %mul3A_0, %arg0 : i32
    %jit3A = arith.constant 2 : i32
    %div3A = arith.divsi %add3A, %jit3A : i32
    %sign3A = arith.constant 0 : i32
    %sign3A_1 = arith.cmpi sgt, %add3A, %sign3A : i32
    %sign3A_2 = arith.extui %sign3A_1 : i1 to i32
    %sign3A_3 = arith.constant 0 : i32
    %sign3A_4 = arith.cmpi slt, %add3A, %sign3A_3 : i32
    %sign3A_5 = arith.extui %sign3A_4 : i1 to i32
    %sign3A_6 = arith.subi %sign3A_2, %sign3A_5 : i32
    %sign3A_7 = arith.constant 0 : i32
    %sign3A_8 = arith.cmpi sgt, %jit3A, %sign3A_7 : i32
    %sign3A_9 = arith.extui %sign3A_8 : i1 to i32
    %sign3A_10 = arith.constant 0 : i32
    %sign3A_11 = arith.cmpi slt, %jit3A, %sign3A_10 : i32
    %sign3A_12 = arith.extui %sign3A_11 : i1 to i32
    %sign3A_13 = arith.subi %sign3A_9, %sign3A_12 : i32
    %ne3A = arith.cmpi ne, %sign3A_6, %sign3A_13 : i32
    %rem3A = arith.remsi %add3A, %jit3A : i32
    %ne3A_14 = arith.constant 0 : i32
    %ne3A_15 = arith.cmpi ne, %rem3A, %ne3A_14 : i32
    %and3A = arith.andi %ne3A, %ne3A_15 : i1
    %sub3A = arith.constant 1 : i32
    %sub3A_16 = arith.subi %div3A, %sub3A : i32
    %select_n3A = arith.select %and3A, %sub3A_16, %div3A : i32
    %jit3A_17 = arith.constant 2 : i32
    %eq3A = arith.constant 0 : i32
    %eq3A_18 = arith.cmpi eq, %jit3A_17, %eq3A : i32
    %jit3A_19 = arith.constant 1 : i32
    %select_n3A_20 = arith.select %eq3A_18, %jit3A_19, %jit3A_17 : i32
    %rem3A_21 = arith.remsi %add3A, %select_n3A_20 : i32
    %ne3A_22 = arith.constant 0 : i32
    %ne3A_23 = arith.cmpi ne, %rem3A_21, %ne3A_22 : i32
    %lt3A = arith.constant 0 : i32
    %lt3A_24 = arith.cmpi slt, %rem3A_21, %lt3A : i32
    %lt3A_25 = arith.constant 0 : i32
    %lt3A_26 = arith.cmpi slt, %select_n3A_20, %lt3A_25 : i32
    %ne3A_27 = arith.xori %lt3A_24, %lt3A_26 : i1
    %and3A_28 = arith.andi %ne3A_27, %ne3A_23 : i1
    %add3A_29 = arith.addi %rem3A_21, %select_n3A_20 : i32
    %select_n3A_30 = arith.select %and3A_28, %add3A_29, %rem3A_21 : i32
    "tpu.region"() ({
      %run_scoped3A = tpu.sem_alloc : memref<!tpu.dma_semaphore, #tpu.memory_space<semaphore_mem>>
      tpu.enqueue_dma source(%arg2 : memref<107811xf32, #tpu.memory_space<hbm>>) target(%arg5 : memref<107811xf32, #tpu.memory_space<vmem>>) target_semaphore(%run_scoped3A : memref<!tpu.dma_semaphore, #tpu.memory_space<semaphore_mem>>)
      tpu.wait_dma2 semaphore(%run_scoped3A : memref<!tpu.dma_semaphore, #tpu.memory_space<semaphore_mem>>) src(%arg2 : memref<107811xf32, #tpu.memory_space<hbm>>) dst(%arg5 : memref<107811xf32, #tpu.memory_space<vmem>>)
      tpu.yield
    }) : () -> ()
    %scan3A = arith.constant 0 : i32
    %scan3A_31 = arith.constant 0 : i32
    %scan3A_32 = arith.constant 64 : i32
    %scan3A_33 = arith.addi %scan3A_31, %scan3A_32 : i32
    %scan3A_34 = arith.constant 1 : i32
    scf.for %scan3A_36 = %scan3A_31 to %scan3A_33 step %scan3A_34  : i32 {
      %mul3A_37 = arith.constant 131072 : i32
      %mul3A_38 = arith.muli %select_n3A_30, %mul3A_37 : i32
      %mul3A_39 = arith.constant 2048 : i32
      %mul3A_40 = arith.muli %scan3A_36, %mul3A_39 : i32
      %add3A_41 = arith.addi %mul3A_38, %mul3A_40 : i32
      %mul3A_42 = arith.constant 3 : i32
      %mul3A_43 = arith.muli %select_n3A, %mul3A_42 : i32
      %add3A_44 = arith.constant 0 : i32
      %add3A_45 = arith.addi %mul3A_43, %add3A_44 : i32
      %mul3A_46 = arith.constant 262144 : i32
      %mul3A_47 = arith.muli %add3A_45, %mul3A_46 : i32
      %add3A_48 = arith.addi %mul3A_47, %add3A_41 : i32
      "tpu.region"() ({
        %run_scoped3A = tpu.sem_alloc : memref<!tpu.dma_semaphore, #tpu.memory_space<semaphore_mem>>
        %dma_start3A = arith.constant 0 : i32
        %dma_start3A_90 = tpu.memref_slice %arg6[%dma_start3A] : memref<6144xf32, #tpu.memory_space<vmem>> -> memref<2048xf32, #tpu.memory_space<vmem>>
        %dma_start3A_91 = tpu.memref_slice %arg3[%add3A_48] : memref<12582912xf32, #tpu.memory_space<hbm>> -> memref<2048xf32, #tpu.memory_space<hbm>>
        %dma_start3A_92 = arith.constant 0 : i32
        %dma_start3A_93 = tpu.memref_slice %arg6[%dma_start3A_92] : memref<6144xf32, #tpu.memory_space<vmem>> -> memref<2048xf32, #tpu.memory_space<vmem>>
        %dma_start3A_94 = tpu.memref_slice %arg3[%add3A_48] : memref<12582912xf32, #tpu.memory_space<hbm>> -> memref<2048xf32, #tpu.memory_space<hbm>>
        tpu.enqueue_dma source(%dma_start3A_94 : memref<2048xf32, #tpu.memory_space<hbm>>) target(%dma_start3A_93 : memref<2048xf32, #tpu.memory_space<vmem>>) target_semaphore(%run_scoped3A : memref<!tpu.dma_semaphore, #tpu.memory_space<semaphore_mem>>)
        %dma_wait3A = arith.constant 0 : i32
        %dma_wait3A_95 = tpu.memref_slice %arg6[%dma_wait3A] : memref<6144xf32, #tpu.memory_space<vmem>> -> memref<2048xf32, #tpu.memory_space<vmem>>
        %dma_wait3A_96 = tpu.memref_slice %arg3[%add3A_48] : memref<12582912xf32, #tpu.memory_space<hbm>> -> memref<2048xf32, #tpu.memory_space<hbm>>
        %dma_wait3A_97 = arith.constant 0 : i32
        %dma_wait3A_98 = tpu.memref_slice %arg6[%dma_wait3A_97] : memref<6144xf32, #tpu.memory_space<vmem>> -> memref<2048xf32, #tpu.memory_space<vmem>>
        %dma_wait3A_99 = tpu.memref_slice %arg3[%add3A_48] : memref<12582912xf32, #tpu.memory_space<hbm>> -> memref<2048xf32, #tpu.memory_space<hbm>>
        tpu.wait_dma2 semaphore(%run_scoped3A : memref<!tpu.dma_semaphore, #tpu.memory_space<semaphore_mem>>) src(%dma_wait3A_99 : memref<2048xf32, #tpu.memory_space<hbm>>) dst(%dma_wait3A_98 : memref<2048xf32, #tpu.memory_space<vmem>>)
        tpu.yield
      }) : () -> ()
      %mul3A_49 = arith.constant 3 : i32
      %mul3A_50 = arith.muli %select_n3A, %mul3A_49 : i32
      %add3A_51 = arith.constant 1 : i32
      %add3A_52 = arith.addi %mul3A_50, %add3A_51 : i32
      %mul3A_53 = arith.constant 262144 : i32
      %mul3A_54 = arith.muli %add3A_52, %mul3A_53 : i32
      %add3A_55 = arith.addi %mul3A_54, %add3A_41 : i32
      "tpu.region"() ({
        %run_scoped3A = tpu.sem_alloc : memref<!tpu.dma_semaphore, #tpu.memory_space<semaphore_mem>>
        %dma_start3A = arith.constant 2048 : i32
        %dma_start3A_90 = tpu.memref_slice %arg6[%dma_start3A] : memref<6144xf32, #tpu.memory_space<vmem>> -> memref<2048xf32, #tpu.memory_space<vmem>>
        %dma_start3A_91 = tpu.memref_slice %arg3[%add3A_55] : memref<12582912xf32, #tpu.memory_space<hbm>> -> memref<2048xf32, #tpu.memory_space<hbm>>
        %dma_start3A_92 = arith.constant 2048 : i32
        %dma_start3A_93 = tpu.memref_slice %arg6[%dma_start3A_92] : memref<6144xf32, #tpu.memory_space<vmem>> -> memref<2048xf32, #tpu.memory_space<vmem>>
        %dma_start3A_94 = tpu.memref_slice %arg3[%add3A_55] : memref<12582912xf32, #tpu.memory_space<hbm>> -> memref<2048xf32, #tpu.memory_space<hbm>>
        tpu.enqueue_dma source(%dma_start3A_94 : memref<2048xf32, #tpu.memory_space<hbm>>) target(%dma_start3A_93 : memref<2048xf32, #tpu.memory_space<vmem>>) target_semaphore(%run_scoped3A : memref<!tpu.dma_semaphore, #tpu.memory_space<semaphore_mem>>)
        %dma_wait3A = arith.constant 2048 : i32
        %dma_wait3A_95 = tpu.memref_slice %arg6[%dma_wait3A] : memref<6144xf32, #tpu.memory_space<vmem>> -> memref<2048xf32, #tpu.memory_space<vmem>>
        %dma_wait3A_96 = tpu.memref_slice %arg3[%add3A_55] : memref<12582912xf32, #tpu.memory_space<hbm>> -> memref<2048xf32, #tpu.memory_space<hbm>>
        %dma_wait3A_97 = arith.constant 2048 : i32
        %dma_wait3A_98 = tpu.memref_slice %arg6[%dma_wait3A_97] : memref<6144xf32, #tpu.memory_space<vmem>> -> memref<2048xf32, #tpu.memory_space<vmem>>
        %dma_wait3A_99 = tpu.memref_slice %arg3[%add3A_55] : memref<12582912xf32, #tpu.memory_space<hbm>> -> memref<2048xf32, #tpu.memory_space<hbm>>
        tpu.wait_dma2 semaphore(%run_scoped3A : memref<!tpu.dma_semaphore, #tpu.memory_space<semaphore_mem>>) src(%dma_wait3A_99 : memref<2048xf32, #tpu.memory_space<hbm>>) dst(%dma_wait3A_98 : memref<2048xf32, #tpu.memory_space<vmem>>)
        tpu.yield
      }) : () -> ()
      %mul3A_56 = arith.constant 3 : i32
      %mul3A_57 = arith.muli %select_n3A, %mul3A_56 : i32
      %add3A_58 = arith.constant 2 : i32
      %add3A_59 = arith.addi %mul3A_57, %add3A_58 : i32
      %mul3A_60 = arith.constant 262144 : i32
      %mul3A_61 = arith.muli %add3A_59, %mul3A_60 : i32
      %add3A_62 = arith.addi %mul3A_61, %add3A_41 : i32
      "tpu.region"() ({
        %run_scoped3A = tpu.sem_alloc : memref<!tpu.dma_semaphore, #tpu.memory_space<semaphore_mem>>
        %dma_start3A = arith.constant 4096 : i32
        %dma_start3A_90 = tpu.memref_slice %arg6[%dma_start3A] : memref<6144xf32, #tpu.memory_space<vmem>> -> memref<2048xf32, #tpu.memory_space<vmem>>
        %dma_start3A_91 = tpu.memref_slice %arg3[%add3A_62] : memref<12582912xf32, #tpu.memory_space<hbm>> -> memref<2048xf32, #tpu.memory_space<hbm>>
        %dma_start3A_92 = arith.constant 4096 : i32
        %dma_start3A_93 = tpu.memref_slice %arg6[%dma_start3A_92] : memref<6144xf32, #tpu.memory_space<vmem>> -> memref<2048xf32, #tpu.memory_space<vmem>>
        %dma_start3A_94 = tpu.memref_slice %arg3[%add3A_62] : memref<12582912xf32, #tpu.memory_space<hbm>> -> memref<2048xf32, #tpu.memory_space<hbm>>
        tpu.enqueue_dma source(%dma_start3A_94 : memref<2048xf32, #tpu.memory_space<hbm>>) target(%dma_start3A_93 : memref<2048xf32, #tpu.memory_space<vmem>>) target_semaphore(%run_scoped3A : memref<!tpu.dma_semaphore, #tpu.memory_space<semaphore_mem>>)
        %dma_wait3A = arith.constant 4096 : i32
        %dma_wait3A_95 = tpu.memref_slice %arg6[%dma_wait3A] : memref<6144xf32, #tpu.memory_space<vmem>> -> memref<2048xf32, #tpu.memory_space<vmem>>
        %dma_wait3A_96 = tpu.memref_slice %arg3[%add3A_62] : memref<12582912xf32, #tpu.memory_space<hbm>> -> memref<2048xf32, #tpu.memory_space<hbm>>
        %dma_wait3A_97 = arith.constant 4096 : i32
        %dma_wait3A_98 = tpu.memref_slice %arg6[%dma_wait3A_97] : memref<6144xf32, #tpu.memory_space<vmem>> -> memref<2048xf32, #tpu.memory_space<vmem>>
        %dma_wait3A_99 = tpu.memref_slice %arg3[%add3A_62] : memref<12582912xf32, #tpu.memory_space<hbm>> -> memref<2048xf32, #tpu.memory_space<hbm>>
        tpu.wait_dma2 semaphore(%run_scoped3A : memref<!tpu.dma_semaphore, #tpu.memory_space<semaphore_mem>>) src(%dma_wait3A_99 : memref<2048xf32, #tpu.memory_space<hbm>>) dst(%dma_wait3A_98 : memref<2048xf32, #tpu.memory_space<vmem>>)
        tpu.yield
      }) : () -> ()
      %scan3A_63 = arith.constant 0 : i32
      %scan3A_64 = arith.constant 0 : i32
      %scan3A_65 = arith.constant 128 : i32
      %scan3A_66 = arith.addi %scan3A_64, %scan3A_65 : i32
      %scan3A_67 = arith.constant 1 : i32
      scf.for %scan3A_90 = %scan3A_64 to %scan3A_66 step %scan3A_67  : i32 {
        %mul3A_91 = arith.constant 16 : i32
        %mul3A_92 = arith.muli %scan3A_90, %mul3A_91 : i32
        %get3A = arith.index_cast %mul3A_92 : i32 to index
        %get3A_93 = tpu.vector_load %arg6[%get3A] {strides = array<i32>} : memref<6144xf32, #tpu.memory_space<vmem>>, vector<16xf32>,
        %add3A_94 = arith.constant 2048 : i32
        %add3A_95 = arith.addi %add3A_94, %mul3A_92 : i32
        %get3A_96 = arith.index_cast %add3A_95 : i32 to index
        %get3A_97 = tpu.vector_load %arg6[%get3A_96] {strides = array<i32>} : memref<6144xf32, #tpu.memory_space<vmem>>, vector<16xf32>,
        %add3A_98 = arith.constant 4096 : i32
        %add3A_99 = arith.addi %add3A_98, %mul3A_92 : i32
        %get3A_100 = arith.index_cast %add3A_99 : i32 to index
        %get3A_101 = tpu.vector_load %arg6[%get3A_100] {strides = array<i32>} : memref<6144xf32, #tpu.memory_space<vmem>>, vector<16xf32>,
        %mul3A_102 = arith.constant 31.9999676 : f32
        %mul3A_103 = vector.broadcast %mul3A_102 : f32 to vector<16xf32>
        %mul3A_104 = arith.mulf %get3A_93, %mul3A_103 : vector<16xf32>
        %mul3A_105 = arith.constant 31.9999676 : f32
        %mul3A_106 = vector.broadcast %mul3A_105 : f32 to vector<16xf32>
        %mul3A_107 = arith.mulf %get3A_97, %mul3A_106 : vector<16xf32>
        %mul3A_108 = arith.constant 31.9999676 : f32
        %mul3A_109 = vector.broadcast %mul3A_108 : f32 to vector<16xf32>
        %mul3A_110 = arith.mulf %get3A_101, %mul3A_109 : vector<16xf32>
        %convert_element_type3A = arith.fptosi %mul3A_104 : vector<16xf32> to vector<16xi32>
        %convert_element_type3A_111 = arith.fptosi %mul3A_107 : vector<16xf32> to vector<16xi32>
        %convert_element_type3A_112 = arith.fptosi %mul3A_110 : vector<16xf32> to vector<16xi32>
        %convert_element_type3A_113 = arith.sitofp %convert_element_type3A : vector<16xi32> to vector<16xf32>
        %sub3A_114 = arith.subf %mul3A_104, %convert_element_type3A_113 : vector<16xf32>
        %convert_element_type3A_115 = arith.sitofp %convert_element_type3A_111 : vector<16xi32> to vector<16xf32>
        %sub3A_116 = arith.subf %mul3A_107, %convert_element_type3A_115 : vector<16xf32>
        %convert_element_type3A_117 = arith.sitofp %convert_element_type3A_112 : vector<16xi32> to vector<16xf32>
        %sub3A_118 = arith.subf %mul3A_110, %convert_element_type3A_117 : vector<16xf32>
        %mul3A_119 = arith.constant 33 : i32
        %mul3A_120 = vector.broadcast %mul3A_119 : i32 to vector<16xi32>
        %mul3A_121 = arith.muli %convert_element_type3A_111, %mul3A_120 : vector<16xi32>
        %add3A_122 = arith.addi %convert_element_type3A, %mul3A_121 : vector<16xi32>
        %mul3A_123 = arith.constant 1089 : i32
        %mul3A_124 = vector.broadcast %mul3A_123 : i32 to vector<16xi32>
        %mul3A_125 = arith.muli %convert_element_type3A_112, %mul3A_124 : vector<16xi32>
        %add3A_126 = arith.addi %add3A_122, %mul3A_125 : vector<16xi32>
        %add3A_127 = arith.constant 1 : i32
        %add3A_128 = vector.broadcast %add3A_127 : i32 to vector<16xi32>
        %add3A_129 = arith.addi %add3A_126, %add3A_128 : vector<16xi32>
        %add3A_130 = arith.constant 33 : i32
        %add3A_131 = vector.broadcast %add3A_130 : i32 to vector<16xi32>
        %add3A_132 = arith.addi %add3A_126, %add3A_131 : vector<16xi32>
        %add3A_133 = arith.constant 33 : i32
        %add3A_134 = vector.broadcast %add3A_133 : i32 to vector<16xi32>
        %add3A_135 = arith.addi %add3A_126, %add3A_134 : vector<16xi32>
        %add3A_136 = arith.constant 1 : i32
        %add3A_137 = vector.broadcast %add3A_136 : i32 to vector<16xi32>
        %add3A_138 = arith.addi %add3A_135, %add3A_137 : vector<16xi32>
        %add3A_139 = arith.constant 1089 : i32
        %add3A_140 = vector.broadcast %add3A_139 : i32 to vector<16xi32>
        %add3A_141 = arith.addi %add3A_126, %add3A_140 : vector<16xi32>
        %add3A_142 = arith.constant 1089 : i32
        %add3A_143 = vector.broadcast %add3A_142 : i32 to vector<16xi32>
        %add3A_144 = arith.addi %add3A_126, %add3A_143 : vector<16xi32>
        %add3A_145 = arith.constant 1 : i32
        %add3A_146 = vector.broadcast %add3A_145 : i32 to vector<16xi32>
        %add3A_147 = arith.addi %add3A_144, %add3A_146 : vector<16xi32>
        %add3A_148 = arith.constant 1089 : i32
        %add3A_149 = vector.broadcast %add3A_148 : i32 to vector<16xi32>
        %add3A_150 = arith.addi %add3A_126, %add3A_149 : vector<16xi32>
        %add3A_151 = arith.constant 33 : i32
        %add3A_152 = vector.broadcast %add3A_151 : i32 to vector<16xi32>
        %add3A_153 = arith.addi %add3A_150, %add3A_152 : vector<16xi32>
        %add3A_154 = arith.constant 1089 : i32
        %add3A_155 = vector.broadcast %add3A_154 : i32 to vector<16xi32>
        %add3A_156 = arith.addi %add3A_126, %add3A_155 : vector<16xi32>
        %add3A_157 = arith.constant 33 : i32
        %add3A_158 = vector.broadcast %add3A_157 : i32 to vector<16xi32>
        %add3A_159 = arith.addi %add3A_156, %add3A_158 : vector<16xi32>
        %add3A_160 = arith.constant 1 : i32
        %add3A_161 = vector.broadcast %add3A_160 : i32 to vector<16xi32>
        %add3A_162 = arith.addi %add3A_159, %add3A_161 : vector<16xi32>
        %sub3A_163 = arith.constant 1.000000e+00 : f32
        %sub3A_164 = vector.broadcast %sub3A_163 : f32 to vector<16xf32>
        %sub3A_165 = arith.subf %sub3A_164, %sub3A_114 : vector<16xf32>
        %sub3A_166 = arith.constant 1.000000e+00 : f32
        %sub3A_167 = vector.broadcast %sub3A_166 : f32 to vector<16xf32>
        %sub3A_168 = arith.subf %sub3A_167, %sub3A_116 : vector<16xf32>
        %sub3A_169 = arith.constant 1.000000e+00 : f32
        %sub3A_170 = vector.broadcast %sub3A_169 : f32 to vector<16xf32>
        %sub3A_171 = arith.subf %sub3A_170, %sub3A_118 : vector<16xf32>
        %mul3A_172 = arith.mulf %sub3A_168, %sub3A_171 : vector<16xf32>
        %mul3A_173 = arith.mulf %sub3A_116, %sub3A_171 : vector<16xf32>
        %mul3A_174 = arith.mulf %sub3A_168, %sub3A_118 : vector<16xf32>
        %mul3A_175 = arith.mulf %sub3A_116, %sub3A_118 : vector<16xf32>
        %mul3A_176 = arith.mulf %sub3A_165, %mul3A_172 : vector<16xf32>
        %mul3A_177 = arith.mulf %sub3A_114, %mul3A_172 : vector<16xf32>
        %mul3A_178 = arith.mulf %sub3A_165, %mul3A_173 : vector<16xf32>
        %mul3A_179 = arith.mulf %sub3A_114, %mul3A_173 : vector<16xf32>
        %mul3A_180 = arith.mulf %sub3A_165, %mul3A_174 : vector<16xf32>
        %mul3A_181 = arith.mulf %sub3A_114, %mul3A_174 : vector<16xf32>
        %mul3A_182 = arith.mulf %sub3A_165, %mul3A_175 : vector<16xf32>
        %mul3A_183 = arith.mulf %sub3A_114, %mul3A_175 : vector<16xf32>
        %add3A_184 = arith.constant 0 : i32
        %add3A_185 = vector.broadcast %add3A_184 : i32 to vector<16xi32>
        %add3A_186 = arith.addi %add3A_126, %add3A_185 : vector<16xi32>
        %gather3A = tpu.vector_load_idx %arg5[%add3A_186] : memref<107811xf32, #tpu.memory_space<vmem>>[vector<16xi32>], vector<16xf32>,
        %mul3A_187 = arith.mulf %mul3A_176, %gather3A : vector<16xf32>
        %add3A_188 = arith.constant 0 : i32
        %add3A_189 = vector.broadcast %add3A_188 : i32 to vector<16xi32>
        %add3A_190 = arith.addi %add3A_129, %add3A_189 : vector<16xi32>
        %gather3A_191 = tpu.vector_load_idx %arg5[%add3A_190] : memref<107811xf32, #tpu.memory_space<vmem>>[vector<16xi32>], vector<16xf32>,
        %mul3A_192 = arith.mulf %mul3A_177, %gather3A_191 : vector<16xf32>
        %add3A_193 = arith.addf %mul3A_187, %mul3A_192 : vector<16xf32>
        %add3A_194 = arith.constant 0 : i32
        %add3A_195 = vector.broadcast %add3A_194 : i32 to vector<16xi32>
        %add3A_196 = arith.addi %add3A_132, %add3A_195 : vector<16xi32>
        %gather3A_197 = tpu.vector_load_idx %arg5[%add3A_196] : memref<107811xf32, #tpu.memory_space<vmem>>[vector<16xi32>], vector<16xf32>,
        %mul3A_198 = arith.mulf %mul3A_178, %gather3A_197 : vector<16xf32>
        %add3A_199 = arith.addf %add3A_193, %mul3A_198 : vector<16xf32>
        %add3A_200 = arith.constant 0 : i32
        %add3A_201 = vector.broadcast %add3A_200 : i32 to vector<16xi32>
        %add3A_202 = arith.addi %add3A_138, %add3A_201 : vector<16xi32>
        %gather3A_203 = tpu.vector_load_idx %arg5[%add3A_202] : memref<107811xf32, #tpu.memory_space<vmem>>[vector<16xi32>], vector<16xf32>,
        %mul3A_204 = arith.mulf %mul3A_179, %gather3A_203 : vector<16xf32>
        %add3A_205 = arith.addf %add3A_199, %mul3A_204 : vector<16xf32>
        %add3A_206 = arith.constant 0 : i32
        %add3A_207 = vector.broadcast %add3A_206 : i32 to vector<16xi32>
        %add3A_208 = arith.addi %add3A_141, %add3A_207 : vector<16xi32>
        %gather3A_209 = tpu.vector_load_idx %arg5[%add3A_208] : memref<107811xf32, #tpu.memory_space<vmem>>[vector<16xi32>], vector<16xf32>,
        %mul3A_210 = arith.mulf %mul3A_180, %gather3A_209 : vector<16xf32>
        %add3A_211 = arith.addf %add3A_205, %mul3A_210 : vector<16xf32>
        %add3A_212 = arith.constant 0 : i32
        %add3A_213 = vector.broadcast %add3A_212 : i32 to vector<16xi32>
        %add3A_214 = arith.addi %add3A_147, %add3A_213 : vector<16xi32>
        %gather3A_215 = tpu.vector_load_idx %arg5[%add3A_214] : memref<107811xf32, #tpu.memory_space<vmem>>[vector<16xi32>], vector<16xf32>,
        %mul3A_216 = arith.mulf %mul3A_181, %gather3A_215 : vector<16xf32>
        %add3A_217 = arith.addf %add3A_211, %mul3A_216 : vector<16xf32>
        %add3A_218 = arith.constant 0 : i32
        %add3A_219 = vector.broadcast %add3A_218 : i32 to vector<16xi32>
        %add3A_220 = arith.addi %add3A_153, %add3A_219 : vector<16xi32>
        %gather3A_221 = tpu.vector_load_idx %arg5[%add3A_220] : memref<107811xf32, #tpu.memory_space<vmem>>[vector<16xi32>], vector<16xf32>,
        %mul3A_222 = arith.mulf %mul3A_182, %gather3A_221 : vector<16xf32>
        %add3A_223 = arith.addf %add3A_217, %mul3A_222 : vector<16xf32>
        %add3A_224 = arith.constant 0 : i32
        %add3A_225 = vector.broadcast %add3A_224 : i32 to vector<16xi32>
        %add3A_226 = arith.addi %add3A_162, %add3A_225 : vector<16xi32>
        %gather3A_227 = tpu.vector_load_idx %arg5[%add3A_226] : memref<107811xf32, #tpu.memory_space<vmem>>[vector<16xi32>], vector<16xf32>,
        %mul3A_228 = arith.mulf %mul3A_183, %gather3A_227 : vector<16xf32>
        %add3A_229 = arith.addf %add3A_223, %mul3A_228 : vector<16xf32>
        %add3A_230 = arith.constant 0 : i32
        %add3A_231 = arith.addi %add3A_230, %mul3A_92 : i32
        %swap3A = arith.index_cast %add3A_231 : i32 to index
        %swap3A_232 = tpu.vector_load %arg7[%swap3A] {strides = array<i32>} : memref<6144xf32, #tpu.memory_space<vmem>>, vector<16xf32>,
        tpu.vector_store %arg7[%swap3A], %add3A_229 {strides = array<i32>} : memref<6144xf32, #tpu.memory_space<vmem>>, vector<16xf32>,
        %add3A_233 = arith.constant 35937 : i32
        %add3A_234 = vector.broadcast %add3A_233 : i32 to vector<16xi32>
        %add3A_235 = arith.addi %add3A_126, %add3A_234 : vector<16xi32>
        %gather3A_236 = tpu.vector_load_idx %arg5[%add3A_235] : memref<107811xf32, #tpu.memory_space<vmem>>[vector<16xi32>], vector<16xf32>,
        %mul3A_237 = arith.mulf %mul3A_176, %gather3A_236 : vector<16xf32>
        %add3A_238 = arith.constant 35937 : i32
        %add3A_239 = vector.broadcast %add3A_238 : i32 to vector<16xi32>
        %add3A_240 = arith.addi %add3A_129, %add3A_239 : vector<16xi32>
        %gather3A_241 = tpu.vector_load_idx %arg5[%add3A_240] : memref<107811xf32, #tpu.memory_space<vmem>>[vector<16xi32>], vector<16xf32>,
        %mul3A_242 = arith.mulf %mul3A_177, %gather3A_241 : vector<16xf32>
        %add3A_243 = arith.addf %mul3A_237, %mul3A_242 : vector<16xf32>
        %add3A_244 = arith.constant 35937 : i32
        %add3A_245 = vector.broadcast %add3A_244 : i32 to vector<16xi32>
        %add3A_246 = arith.addi %add3A_132, %add3A_245 : vector<16xi32>
        %gather3A_247 = tpu.vector_load_idx %arg5[%add3A_246] : memref<107811xf32, #tpu.memory_space<vmem>>[vector<16xi32>], vector<16xf32>,
        %mul3A_248 = arith.mulf %mul3A_178, %gather3A_247 : vector<16xf32>
        %add3A_249 = arith.addf %add3A_243, %mul3A_248 : vector<16xf32>
        %add3A_250 = arith.constant 35937 : i32
        %add3A_251 = vector.broadcast %add3A_250 : i32 to vector<16xi32>
        %add3A_252 = arith.addi %add3A_138, %add3A_251 : vector<16xi32>
        %gather3A_253 = tpu.vector_load_idx %arg5[%add3A_252] : memref<107811xf32, #tpu.memory_space<vmem>>[vector<16xi32>], vector<16xf32>,
        %mul3A_254 = arith.mulf %mul3A_179, %gather3A_253 : vector<16xf32>
        %add3A_255 = arith.addf %add3A_249, %mul3A_254 : vector<16xf32>
        %add3A_256 = arith.constant 35937 : i32
        %add3A_257 = vector.broadcast %add3A_256 : i32 to vector<16xi32>
        %add3A_258 = arith.addi %add3A_141, %add3A_257 : vector<16xi32>
        %gather3A_259 = tpu.vector_load_idx %arg5[%add3A_258] : memref<107811xf32, #tpu.memory_space<vmem>>[vector<16xi32>], vector<16xf32>,
        %mul3A_260 = arith.mulf %mul3A_180, %gather3A_259 : vector<16xf32>
        %add3A_261 = arith.addf %add3A_255, %mul3A_260 : vector<16xf32>
        %add3A_262 = arith.constant 35937 : i32
        %add3A_263 = vector.broadcast %add3A_262 : i32 to vector<16xi32>
        %add3A_264 = arith.addi %add3A_147, %add3A_263 : vector<16xi32>
        %gather3A_265 = tpu.vector_load_idx %arg5[%add3A_264] : memref<107811xf32, #tpu.memory_space<vmem>>[vector<16xi32>], vector<16xf32>,
        %mul3A_266 = arith.mulf %mul3A_181, %gather3A_265 : vector<16xf32>
        %add3A_267 = arith.addf %add3A_261, %mul3A_266 : vector<16xf32>
        %add3A_268 = arith.constant 35937 : i32
        %add3A_269 = vector.broadcast %add3A_268 : i32 to vector<16xi32>
        %add3A_270 = arith.addi %add3A_153, %add3A_269 : vector<16xi32>
        %gather3A_271 = tpu.vector_load_idx %arg5[%add3A_270] : memref<107811xf32, #tpu.memory_space<vmem>>[vector<16xi32>], vector<16xf32>,
        %mul3A_272 = arith.mulf %mul3A_182, %gather3A_271 : vector<16xf32>
        %add3A_273 = arith.addf %add3A_267, %mul3A_272 : vector<16xf32>
        %add3A_274 = arith.constant 35937 : i32
        %add3A_275 = vector.broadcast %add3A_274 : i32 to vector<16xi32>
        %add3A_276 = arith.addi %add3A_162, %add3A_275 : vector<16xi32>
        %gather3A_277 = tpu.vector_load_idx %arg5[%add3A_276] : memref<107811xf32, #tpu.memory_space<vmem>>[vector<16xi32>], vector<16xf32>,
        %mul3A_278 = arith.mulf %mul3A_183, %gather3A_277 : vector<16xf32>
        %add3A_279 = arith.addf %add3A_273, %mul3A_278 : vector<16xf32>
        %add3A_280 = arith.constant 2048 : i32
        %add3A_281 = arith.addi %add3A_280, %mul3A_92 : i32
        %swap3A_282 = arith.index_cast %add3A_281 : i32 to index
        %swap3A_283 = tpu.vector_load %arg7[%swap3A_282] {strides = array<i32>} : memref<6144xf32, #tpu.memory_space<vmem>>, vector<16xf32>,
        tpu.vector_store %arg7[%swap3A_282], %add3A_279 {strides = array<i32>} : memref<6144xf32, #tpu.memory_space<vmem>>, vector<16xf32>,
        %add3A_284 = arith.constant 71874 : i32
        %add3A_285 = vector.broadcast %add3A_284 : i32 to vector<16xi32>
        %add3A_286 = arith.addi %add3A_126, %add3A_285 : vector<16xi32>
        %gather3A_287 = tpu.vector_load_idx %arg5[%add3A_286] : memref<107811xf32, #tpu.memory_space<vmem>>[vector<16xi32>], vector<16xf32>,
        %mul3A_288 = arith.mulf %mul3A_176, %gather3A_287 : vector<16xf32>
        %add3A_289 = arith.constant 71874 : i32
        %add3A_290 = vector.broadcast %add3A_289 : i32 to vector<16xi32>
        %add3A_291 = arith.addi %add3A_129, %add3A_290 : vector<16xi32>
        %gather3A_292 = tpu.vector_load_idx %arg5[%add3A_291] : memref<107811xf32, #tpu.memory_space<vmem>>[vector<16xi32>], vector<16xf32>,
        %mul3A_293 = arith.mulf %mul3A_177, %gather3A_292 : vector<16xf32>
        %add3A_294 = arith.addf %mul3A_288, %mul3A_293 : vector<16xf32>
        %add3A_295 = arith.constant 71874 : i32
        %add3A_296 = vector.broadcast %add3A_295 : i32 to vector<16xi32>
        %add3A_297 = arith.addi %add3A_132, %add3A_296 : vector<16xi32>
        %gather3A_298 = tpu.vector_load_idx %arg5[%add3A_297] : memref<107811xf32, #tpu.memory_space<vmem>>[vector<16xi32>], vector<16xf32>,
        %mul3A_299 = arith.mulf %mul3A_178, %gather3A_298 : vector<16xf32>
        %add3A_300 = arith.addf %add3A_294, %mul3A_299 : vector<16xf32>
        %add3A_301 = arith.constant 71874 : i32
        %add3A_302 = vector.broadcast %add3A_301 : i32 to vector<16xi32>
        %add3A_303 = arith.addi %add3A_138, %add3A_302 : vector<16xi32>
        %gather3A_304 = tpu.vector_load_idx %arg5[%add3A_303] : memref<107811xf32, #tpu.memory_space<vmem>>[vector<16xi32>], vector<16xf32>,
        %mul3A_305 = arith.mulf %mul3A_179, %gather3A_304 : vector<16xf32>
        %add3A_306 = arith.addf %add3A_300, %mul3A_305 : vector<16xf32>
        %add3A_307 = arith.constant 71874 : i32
        %add3A_308 = vector.broadcast %add3A_307 : i32 to vector<16xi32>
        %add3A_309 = arith.addi %add3A_141, %add3A_308 : vector<16xi32>
        %gather3A_310 = tpu.vector_load_idx %arg5[%add3A_309] : memref<107811xf32, #tpu.memory_space<vmem>>[vector<16xi32>], vector<16xf32>,
        %mul3A_311 = arith.mulf %mul3A_180, %gather3A_310 : vector<16xf32>
        %add3A_312 = arith.addf %add3A_306, %mul3A_311 : vector<16xf32>
        %add3A_313 = arith.constant 71874 : i32
        %add3A_314 = vector.broadcast %add3A_313 : i32 to vector<16xi32>
        %add3A_315 = arith.addi %add3A_147, %add3A_314 : vector<16xi32>
        %gather3A_316 = tpu.vector_load_idx %arg5[%add3A_315] : memref<107811xf32, #tpu.memory_space<vmem>>[vector<16xi32>], vector<16xf32>,
        %mul3A_317 = arith.mulf %mul3A_181, %gather3A_316 : vector<16xf32>
        %add3A_318 = arith.addf %add3A_312, %mul3A_317 : vector<16xf32>
        %add3A_319 = arith.constant 71874 : i32
        %add3A_320 = vector.broadcast %add3A_319 : i32 to vector<16xi32>
        %add3A_321 = arith.addi %add3A_153, %add3A_320 : vector<16xi32>
        %gather3A_322 = tpu.vector_load_idx %arg5[%add3A_321] : memref<107811xf32, #tpu.memory_space<vmem>>[vector<16xi32>], vector<16xf32>,
        %mul3A_323 = arith.mulf %mul3A_182, %gather3A_322 : vector<16xf32>
        %add3A_324 = arith.addf %add3A_318, %mul3A_323 : vector<16xf32>
        %add3A_325 = arith.constant 71874 : i32
        %add3A_326 = vector.broadcast %add3A_325 : i32 to vector<16xi32>
        %add3A_327 = arith.addi %add3A_162, %add3A_326 : vector<16xi32>
        %gather3A_328 = tpu.vector_load_idx %arg5[%add3A_327] : memref<107811xf32, #tpu.memory_space<vmem>>[vector<16xi32>], vector<16xf32>,
        %mul3A_329 = arith.mulf %mul3A_183, %gather3A_328 : vector<16xf32>
        %add3A_330 = arith.addf %add3A_324, %mul3A_329 : vector<16xf32>
        %add3A_331 = arith.constant 4096 : i32
        %add3A_332 = arith.addi %add3A_331, %mul3A_92 : i32
        %swap3A_333 = arith.index_cast %add3A_332 : i32 to index
        %swap3A_334 = tpu.vector_load %arg7[%swap3A_333] {strides = array<i32>} : memref<6144xf32, #tpu.memory_space<vmem>>, vector<16xf32>,
        tpu.vector_store %arg7[%swap3A_333], %add3A_330 {strides = array<i32>} : memref<6144xf32, #tpu.memory_space<vmem>>, vector<16xf32>,
      }
      %scan3A_68 = arith.constant 128 : i32
      %mul3A_69 = arith.constant 3 : i32
      %mul3A_70 = arith.muli %select_n3A, %mul3A_69 : i32
      %add3A_71 = arith.constant 0 : i32
      %add3A_72 = arith.addi %mul3A_70, %add3A_71 : i32
      %mul3A_73 = arith.constant 262144 : i32
      %mul3A_74 = arith.muli %add3A_72, %mul3A_73 : i32
      %add3A_75 = arith.addi %mul3A_74, %add3A_41 : i32
      "tpu.region"() ({
        %run_scoped3A = tpu.sem_alloc : memref<!tpu.dma_semaphore, #tpu.memory_space<semaphore_mem>>
        %dma_start3A = arith.constant 0 : i32
        %dma_start3A_90 = tpu.memref_slice %arg7[%dma_start3A] : memref<6144xf32, #tpu.memory_space<vmem>> -> memref<2048xf32, #tpu.memory_space<vmem>>
        %dma_start3A_91 = tpu.memref_slice %arg4[%add3A_75] : memref<12582912xf32, #tpu.memory_space<hbm>> -> memref<2048xf32, #tpu.memory_space<hbm>>
        %dma_start3A_92 = tpu.memref_slice %arg4[%add3A_75] : memref<12582912xf32, #tpu.memory_space<hbm>> -> memref<2048xf32, #tpu.memory_space<hbm>>
        %dma_start3A_93 = arith.constant 0 : i32
        %dma_start3A_94 = tpu.memref_slice %arg7[%dma_start3A_93] : memref<6144xf32, #tpu.memory_space<vmem>> -> memref<2048xf32, #tpu.memory_space<vmem>>
        tpu.enqueue_dma source(%dma_start3A_94 : memref<2048xf32, #tpu.memory_space<vmem>>) target(%dma_start3A_92 : memref<2048xf32, #tpu.memory_space<hbm>>) target_semaphore(%run_scoped3A : memref<!tpu.dma_semaphore, #tpu.memory_space<semaphore_mem>>)
        %dma_wait3A = arith.constant 0 : i32
        %dma_wait3A_95 = tpu.memref_slice %arg7[%dma_wait3A] : memref<6144xf32, #tpu.memory_space<vmem>> -> memref<2048xf32, #tpu.memory_space<vmem>>
        %dma_wait3A_96 = tpu.memref_slice %arg4[%add3A_75] : memref<12582912xf32, #tpu.memory_space<hbm>> -> memref<2048xf32, #tpu.memory_space<hbm>>
        %dma_wait3A_97 = tpu.memref_slice %arg4[%add3A_75] : memref<12582912xf32, #tpu.memory_space<hbm>> -> memref<2048xf32, #tpu.memory_space<hbm>>
        %dma_wait3A_98 = arith.constant 0 : i32
        %dma_wait3A_99 = tpu.memref_slice %arg7[%dma_wait3A_98] : memref<6144xf32, #tpu.memory_space<vmem>> -> memref<2048xf32, #tpu.memory_space<vmem>>
        tpu.wait_dma2 semaphore(%run_scoped3A : memref<!tpu.dma_semaphore, #tpu.memory_space<semaphore_mem>>) src(%dma_wait3A_99 : memref<2048xf32, #tpu.memory_space<vmem>>) dst(%dma_wait3A_97 : memref<2048xf32, #tpu.memory_space<hbm>>)
        tpu.yield
      }) : () -> ()
      %mul3A_76 = arith.constant 3 : i32
      %mul3A_77 = arith.muli %select_n3A, %mul3A_76 : i32
      %add3A_78 = arith.constant 1 : i32
      %add3A_79 = arith.addi %mul3A_77, %add3A_78 : i32
      %mul3A_80 = arith.constant 262144 : i32
      %mul3A_81 = arith.muli %add3A_79, %mul3A_80 : i32
      %add3A_82 = arith.addi %mul3A_81, %add3A_41 : i32
      "tpu.region"() ({
        %run_scoped3A = tpu.sem_alloc : memref<!tpu.dma_semaphore, #tpu.memory_space<semaphore_mem>>
        %dma_start3A = arith.constant 2048 : i32
        %dma_start3A_90 = tpu.memref_slice %arg7[%dma_start3A] : memref<6144xf32, #tpu.memory_space<vmem>> -> memref<2048xf32, #tpu.memory_space<vmem>>
        %dma_start3A_91 = tpu.memref_slice %arg4[%add3A_82] : memref<12582912xf32, #tpu.memory_space<hbm>> -> memref<2048xf32, #tpu.memory_space<hbm>>
        %dma_start3A_92 = tpu.memref_slice %arg4[%add3A_82] : memref<12582912xf32, #tpu.memory_space<hbm>> -> memref<2048xf32, #tpu.memory_space<hbm>>
        %dma_start3A_93 = arith.constant 2048 : i32
        %dma_start3A_94 = tpu.memref_slice %arg7[%dma_start3A_93] : memref<6144xf32, #tpu.memory_space<vmem>> -> memref<2048xf32, #tpu.memory_space<vmem>>
        tpu.enqueue_dma source(%dma_start3A_94 : memref<2048xf32, #tpu.memory_space<vmem>>) target(%dma_start3A_92 : memref<2048xf32, #tpu.memory_space<hbm>>) target_semaphore(%run_scoped3A : memref<!tpu.dma_semaphore, #tpu.memory_space<semaphore_mem>>)
        %dma_wait3A = arith.constant 2048 : i32
        %dma_wait3A_95 = tpu.memref_slice %arg7[%dma_wait3A] : memref<6144xf32, #tpu.memory_space<vmem>> -> memref<2048xf32, #tpu.memory_space<vmem>>
        %dma_wait3A_96 = tpu.memref_slice %arg4[%add3A_82] : memref<12582912xf32, #tpu.memory_space<hbm>> -> memref<2048xf32, #tpu.memory_space<hbm>>
        %dma_wait3A_97 = tpu.memref_slice %arg4[%add3A_82] : memref<12582912xf32, #tpu.memory_space<hbm>> -> memref<2048xf32, #tpu.memory_space<hbm>>
        %dma_wait3A_98 = arith.constant 2048 : i32
        %dma_wait3A_99 = tpu.memref_slice %arg7[%dma_wait3A_98] : memref<6144xf32, #tpu.memory_space<vmem>> -> memref<2048xf32, #tpu.memory_space<vmem>>
        tpu.wait_dma2 semaphore(%run_scoped3A : memref<!tpu.dma_semaphore, #tpu.memory_space<semaphore_mem>>) src(%dma_wait3A_99 : memref<2048xf32, #tpu.memory_space<vmem>>) dst(%dma_wait3A_97 : memref<2048xf32, #tpu.memory_space<hbm>>)
        tpu.yield
      }) : () -> ()
      %mul3A_83 = arith.constant 3 : i32
      %mul3A_84 = arith.muli %select_n3A, %mul3A_83 : i32
      %add3A_85 = arith.constant 2 : i32
      %add3A_86 = arith.addi %mul3A_84, %add3A_85 : i32
      %mul3A_87 = arith.constant 262144 : i32
      %mul3A_88 = arith.muli %add3A_86, %mul3A_87 : i32
      %add3A_89 = arith.addi %mul3A_88, %add3A_41 : i32
      "tpu.region"() ({
        %run_scoped3A = tpu.sem_alloc : memref<!tpu.dma_semaphore, #tpu.memory_space<semaphore_mem>>
        %dma_start3A = arith.constant 4096 : i32
        %dma_start3A_90 = tpu.memref_slice %arg7[%dma_start3A] : memref<6144xf32, #tpu.memory_space<vmem>> -> memref<2048xf32, #tpu.memory_space<vmem>>
        %dma_start3A_91 = tpu.memref_slice %arg4[%add3A_89] : memref<12582912xf32, #tpu.memory_space<hbm>> -> memref<2048xf32, #tpu.memory_space<hbm>>
        %dma_start3A_92 = tpu.memref_slice %arg4[%add3A_89] : memref<12582912xf32, #tpu.memory_space<hbm>> -> memref<2048xf32, #tpu.memory_space<hbm>>
        %dma_start3A_93 = arith.constant 4096 : i32
        %dma_start3A_94 = tpu.memref_slice %arg7[%dma_start3A_93] : memref<6144xf32, #tpu.memory_space<vmem>> -> memref<2048xf32, #tpu.memory_space<vmem>>
        tpu.enqueue_dma source(%dma_start3A_94 : memref<2048xf32, #tpu.memory_space<vmem>>) target(%dma_start3A_92 : memref<2048xf32, #tpu.memory_space<hbm>>) target_semaphore(%run_scoped3A : memref<!tpu.dma_semaphore, #tpu.memory_space<semaphore_mem>>)
        %dma_wait3A = arith.constant 4096 : i32
        %dma_wait3A_95 = tpu.memref_slice %arg7[%dma_wait3A] : memref<6144xf32, #tpu.memory_space<vmem>> -> memref<2048xf32, #tpu.memory_space<vmem>>
        %dma_wait3A_96 = tpu.memref_slice %arg4[%add3A_89] : memref<12582912xf32, #tpu.memory_space<hbm>> -> memref<2048xf32, #tpu.memory_space<hbm>>
        %dma_wait3A_97 = tpu.memref_slice %arg4[%add3A_89] : memref<12582912xf32, #tpu.memory_space<hbm>> -> memref<2048xf32, #tpu.memory_space<hbm>>
        %dma_wait3A_98 = arith.constant 4096 : i32
        %dma_wait3A_99 = tpu.memref_slice %arg7[%dma_wait3A_98] : memref<6144xf32, #tpu.memory_space<vmem>> -> memref<2048xf32, #tpu.memory_space<vmem>>
        tpu.wait_dma2 semaphore(%run_scoped3A : memref<!tpu.dma_semaphore, #tpu.memory_space<semaphore_mem>>) src(%dma_wait3A_99 : memref<2048xf32, #tpu.memory_space<vmem>>) dst(%dma_wait3A_97 : memref<2048xf32, #tpu.memory_space<hbm>>)
        tpu.yield
      }) : () -> ()
    }
    %scan3A_35 = arith.constant 64 : i32
    return
  }
}

</mosaic_0001>

<sc_bundles>
// kernel: kernel.3.cloned.1.call-start
scs
__scs_entry_jumppad:
0x0: {  	(pc) =	sbr.rel $0x88, $3  }
0x1: {  	(tag) =	ssettag $0x0;
	lr =	simm.s32 $0x1  }
0x2: {  	[smem:$0x3F9F] =	sst lr;
	_ =	strace $0xD0000000  }
0x3: {  	_ = 	snop  }
0x4: {  	_ = 	snop  }
0x5: {  	_ = 	snop  }
0x6: {  	_ = 	snop  }
0x7: {  	_ = 	snop  }
__scs_overlays_trampoline_lowered:
0x8: {  	[smem:$0x3FAE] =	sst s0  }
0x9: {  	[smem:$0x3FAF] =	sst s1  }
0xa: {  	[smem:$0x3FB0] =	sst s2  }
0xb: {  	[smem:$0x3FB1] =	sst s3  }
0xc: {  	[smem:$0x3FB2] =	sst s4  }
0xd: {  	[smem:$0x3FB3] =	sst s5  }
0xe: {  	[smem:$0x3FB4] =	sst s6  }
0xf: {  	[smem:$0x3FB5] =	sst s7  }
0x10: {  	[smem:$0x3FB6] =	sst s8  }
0x11: {  	[smem:$0x3FB7] =	sst s9;
	s0 =	simm.s32 @!p0 $0x0  }
0x12: {  	s1 =	sld [smem:$0x3F9D];
	s0 =	simm.s32 @p0 $0x1  }
0x13: {  	[smem:$0x3FB8] =	sst s0;
	s0 =	simm.s32 @!p1 $0x0  }
0x14: {  	s2 =	sld [smem:$0x3F9C];
	s0 =	simm.s32 @p1 $0x1  }
0x15: {  	[smem:$0x3FB9] =	sst s0;
	s0 =	simm.s32 @!p2 $0x0  }
0x16: {  	s3 =	sld [smem:$0x3FDB];
	s0 =	simm.s32 @p2 $0x1  }
0x17: {  	s4 =	simm.s32 $0x1BF5;
	[smem:$0x3FBB] =	sst s0  }
0x18: {  	s0 =	sld [smem:$0x3F9E];
	_ =	swait.ge [sflag:s4], $0x0  }
0x19: {  	s7 =	sld [smem:$0x3F9F]  }
0x1a: {  	s8 =	sadd.s32 $0xFFFFE003, lr  }
0x1b: {  	s9 =	sadd.s32 $0xFFFFFEF7, lr;
	s5 =	simm.s32 $0xFFFFFFFF;
	p2 =	slt.u32 s8, $0xFFFFF086  }
0x1c: {  	p1 =	slt.u32 s9, $0xF7A;
	s5 =	simm.s32 @!p2 $0x0  }
0x1d: {  	s5 =	simm.s32 @p1 $0x1;
	p0 =	seq.s32 s7, s2  }
0x1e: {  	s7 =	smul.u32 @!p0 $0xF7A, s2;
	p2 =	seq.s32 @!p0 s5, $0x0  }
0x1f: {  	s9 =	smul.u32 $0xF7A, s1;
	s8 =	simm.s32 @!p0 $0x1BF5;
	p2 =	por !p2, p0  }
0x20: {  	[sflag:s8] =	ssyncset.s32 @!p0 $0xFFFFF086;
	s6 =	sadd.s32 @!p0 s3, s7;
	s7 =	simm.s32 @!p0 $0x108  }
0x21: {  	s3 =	sadd.s32 s3, s9;
	s6 =	sadd.s32 @!p0 $0x88, s6;
	s7 =	simm.s32 @p2 $0x1082  }
0x22: {  	[simem:s7], [sflag:s8] =	dma.local @!p0 [hbm:s6], $0xF7A  }
0x23: {  	s9 =	sor.u32 $0xD0000000, s2;
	s6 =	simm.s32 $0x108;
	_ =	swait.ge @!p0 [sflag:s8], $0x0  }
0x24: {  	s3 =	sadd.s32 $0x88, s3;
	s6 =	simm.s32 @!p1 $0x1082;
	[sflag:s4] =	ssyncset.s32 $0xFFFFF086  }
0x25: {  	[simem:s6], [sflag:s4] =	dma.local [hbm:s3], $0xF7A  }
0x26: {  	[smem:$0x3F9F] =	sst s1;
	(tag) =	ssettag s2;
	_ =	strace s9  }
0x27: {  	s1 =	sld [smem:$0x3FAF]  }
0x28: {  	s2 =	sld [smem:$0x3FB0]  }
0x29: {  	s4 =	sld [smem:$0x3FB2]  }
0x2a: {  	p0 =	seq.s32 s5, $0x0;
	s5 =	sld [smem:$0x3FB3]  }
0x2b: {  	s6 =	sld [smem:$0x3FB4]  }
0x2c: {  	s7 =	sld [smem:$0x3FB5]  }
0x2d: {  	s3 =	simm.s32 $0x108;
	s8 =	sld [smem:$0x3FB6]  }
0x2e: {  	s3 =	simm.s32 @!p0 $0x1082;
	s9 =	sld [smem:$0x3FB7]  }
0x2f: {  	lr =	sadd.s32 s0, s3;
	s0 =	sld [smem:$0x3FAE]  }
0x30: {  	s3 =	sld [smem:$0x3FB1]  }
0x31: {  	[smem:$0x3FBA] =	sst s10  }
0x32: {  	s10 =	sld [smem:$0x3FB8];
	_ =	sdelay $0x3  }
0x33: {  	p0 =	seq.s32 s10, $0x1;
	s10 =	sld [smem:$0x3FBA];
	_ =	sdelay $0x3  }
0x34: {  	[smem:$0x3FBA] =	sst s10  }
0x35: {  	s10 =	sld [smem:$0x3FB9];
	_ =	sdelay $0x3  }
0x36: {  	p1 =	seq.s32 s10, $0x1;
	s10 =	sld [smem:$0x3FBA];
	_ =	sdelay $0x3  }
0x37: {  	[smem:$0x3FBA] =	sst s10  }
0x38: {  	s10 =	sld [smem:$0x3FBB]  }
0x39: {  	_ = 	snop;
	(pc) =	sbr.ind lr, $3  }
0x3a: {  	_ = 	snop  }
0x3b: {  	_ = 	snop  }
0x3c: {  	p2 =	seq.s32 s10, $0x1;
	s10 =	sld [smem:$0x3FBA]  }
0x3d: {  	_ =	shalt  }
0x3e: {  	_ =	shalt  }
0x3f: {  	_ =	shalt  }
0x40: {  	_ =	shalt  }
0x41: {  	_ =	shalt  }
0x42: {  	_ =	shalt  }
0x43: {  	_ =	shalt  }
0x44: {  	_ =	shalt  }
0x45: {  	_ =	shalt  }
0x46: {  	_ =	shalt  }
0x47: {  	_ =	shalt  }
0x48: {  	_ =	shalt  }
0x49: {  	_ =	shalt  }
0x4a: {  	_ =	shalt  }
0x4b: {  	_ =	shalt  }
0x4c: {  	_ =	shalt  }
0x4d: {  	_ =	shalt  }
0x4e: {  	_ =	shalt  }
0x4f: {  	_ =	shalt  }
0x50: {  	_ =	shalt  }
0x51: {  	_ =	shalt  }
0x52: {  	_ =	shalt  }
0x53: {  	_ =	shalt  }
0x54: {  	_ =	shalt  }
0x55: {  	_ =	shalt  }
0x56: {  	_ =	shalt  }
0x57: {  	_ =	shalt  }
0x58: {  	_ =	shalt  }
0x59: {  	_ =	shalt  }
0x5a: {  	_ =	shalt  }
0x5b: {  	_ =	shalt  }
0x5c: {  	_ =	shalt  }
0x5d: {  	_ =	shalt  }
0x5e: {  	_ =	shalt  }
0x5f: {  	_ =	shalt  }
0x60: {  	_ =	shalt  }
0x61: {  	_ =	shalt  }
0x62: {  	_ =	shalt  }
0x63: {  	_ =	shalt  }
0x64: {  	_ =	shalt  }
0x65: {  	_ =	shalt  }
0x66: {  	_ =	shalt  }
0x67: {  	_ =	shalt  }
0x68: {  	_ =	shalt  }
0x69: {  	_ =	shalt  }
0x6a: {  	_ =	shalt  }
0x6b: {  	_ =	shalt  }
0x6c: {  	_ =	shalt  }
0x6d: {  	_ =	shalt  }
0x6e: {  	_ =	shalt  }
0x6f: {  	_ =	shalt  }
0x70: {  	_ =	shalt  }
0x71: {  	_ =	shalt  }
0x72: {  	_ =	shalt  }
0x73: {  	_ =	shalt  }
0x74: {  	_ =	shalt  }
0x75: {  	_ =	shalt  }
0x76: {  	_ =	shalt  }
0x77: {  	_ =	shalt  }
0x78: {  	_ =	shalt  }
0x79: {  	_ =	shalt  }
0x7a: {  	_ =	shalt  }
0x7b: {  	_ =	shalt  }
0x7c: {  	_ =	shalt  }
0x7d: {  	_ =	shalt  }
0x7e: {  	_ =	shalt  }
0x7f: {  	_ =	shalt  }
0x80: {  	_ =	shalt  }
0x81: {  	_ =	shalt  }
0x82: {  	_ =	shalt  }
0x83: {  	_ =	shalt  }
0x84: {  	_ =	shalt  }
0x85: {  	_ =	shalt  }
0x86: {  	_ =	shalt  }
0x87: {  	_ =	shalt  }
.Lfunc_end0:
.L_simem_size_0:
called_computation.1_lowered:
.L_overlay_start_0:
0x88: {  	s2 =	sld [smem:$0x3FD9]  }
0x89: {  	s3 =	sld [smem:$0x3FFE];
	_ =	sdelay $0x1  }
0x8a: {  	s1 =	srdreg.scid  }
0x8b: {  	s0 =	sand.u32 $0x1, s1  }
0x8c: {  	s17 =	sshll.u32 s0, $0xA;
	s2 =	sadd.s32 s3, s2  }
0x8d: {  	s2 =	sadd.s32 s2, s17  }
0x8e: {  	[smem:$0x3FC6] =	sst s2  }
0x8f: {  	_ = 	snop  }
0x90: {  	s2 =	sld [smem:$0x3FD0];
	(tm) =	ssettm $0x1  }
0x91: {  	s18 =	sld [smem:$0x3FFB];
	_ =	sdelay $0x3  }
0x92: {  	_ =	strace s18  }
0x93: {  	s3 =	sld [smem:$0x3FFC];
	_ =	sdelay $0x3  }
0x94: {  	_ =	strace s3  }
0x95: {  	s3 =	sld [smem:$0x3FFD];
	_ =	sdelay $0x3  }
0x96: {  	_ =	strace s3  }
0x97: {  	_ =	strace $0x8FFFFFFF  }
0x98: {  	s19 =	sld [smem:$0x3FDB];
	_ =	sdelay $0x1  }
0x99: {  	s4 =	simm.s32 $_scs_section_size  }
0x9a: {  	s5 =	simm.s32 $_size__tile_overlayer_lowered;
	s6 =	simm.s32 $_tile_overlayer_lowered  }
0x9b: {  	s22 =	simm.s32 $0x1BFF;
	s21 =	sshll.u32 s6, $0x1;
	s3 =	sadd.s32 s4, s19  }
0x9c: {  	s7 =	simm.s32 $0x0;
	s20 =	sshll.u32 s5, $0x1;
	s5 =	sadd.s32 s21, s3  }
0x9d: {  	[timem:s7], [sflag:s22] =	dma.local [hbm:s5], s20  }
0x9e: {  	_ =	swait.ge [sflag:s22], s20  }
0x9f: {  	s4 =	ssub.s32 $0x0, s20;
	[sflag:s22] =	ssyncset.done $0x0  }
0xa0: {  	[sflag:s22] =	ssyncadd.s32 s4;
	_ =	sdelay $0x1  }
0xa1: {  	s23 =	simm.s32 $0x1B8B  }
0xa2: {  	_ =	swait.ge [sflag:s23], $0x1  }
0xa3: {  	[sflag:s23] =	ssyncset.done $0x0  }
0xa4: {  	s25 =	simm.s32 $0x1B8E;
	s24 =	sld [smem:$0x3FFE];
	[sflag:s23] =	ssyncadd.s32 $0xFFFFFFFF  }
0xa5: {  	s26 =	simm.s32 $execute0_lowered;
	[smem:$0x3FD2] =	sst s25  }
0xa6: {  	s5 =	sshll.u32 s26, $0x1;
	_ =	strace $0x80000049;
	[dreg:$0x1] =	wrdreg $0xFFFFFFFF  }
0xa7: {  	s28 =	simm.s32 $_size_execute0_lowered;
	s3 =	sadd.s32 s3, s5;
	[dreg:$0x0] =	wrdreg $0x0  }
0xa8: {  	s5 =	sshll.u32 s28, $0x1;
	[dreg:$0x2] =	wrdreg s3  }
0xa9: {  	[dreg:$0x3] =	wrdreg s5  }
0xaa: {  	[dreg:$0x4] =	wrdreg $0xC0  }
0xab: {  	_ =	task [dreg:s7], $0x5FFFF  }
0xac: {  	[dreg:$0x1] =	wrdreg $0xFFFFFFFF  }
0xad: {  	[dreg:$0x0] =	wrdreg $0x60  }
0xae: {  	[dreg:$0x2] =	wrdreg s24  }
0xaf: {  	[dreg:$0x3] =	wrdreg s2  }
0xb0: {  	[dreg:$0x4] =	wrdreg $0x9  }
0xb1: {  	_ =	task.clear_ibuf [dreg:s7], $0x5FFFF;
	_ =	strace $0x90000049  }
0xb2: {  	s29 =	simm.s32 $0x9;
	_ =	strace $0x8000004B  }
0xb3: {  	_ =	swait.ge [sflag:s29], $0x1  }
0xb4: {  	[sflag:s29] =	ssyncadd.s32 $0xFFFFFFFF  }
0xb5: {  	_ =	strace $0x9000004B  }
0xb6: {  	_ =	sfence  }
0xb7: {  	s30 =	sld [smem:$0x0];
	_ =	sdelay $0x2  }
0xb8: {  	s31 =	sshll.u32 s1, $0xD;
	s1 =	sshrl.u32 s1, $0x2  }
0xb9: {  	s3 =	sand.u32 $0x4000, s31;
	s1 =	sadd.s32 s1, s30  }
0xba: {  	s0 =	sor.u32 s3, s0;
	s1 =	sshll.u32 s1, $0x11  }
0xbb: {  	s0 =	sor.u32 s1, s0  }
0xbc: {  	s0 =	sadd.s32 $0x8F2B, s0  }
0xbd: {  	[sflag:s0] =	ssyncadd.remote.s32 $0x1  }
0xbe: {  	_ =	sfence.sel $0xFFFF  }
0xbf: {  	[dreg:$0x0] =	wrdreg $0xFFFFFFFF;
	(pc) =	sbr.abs _section_cstart, $3  }
0xc0: {  	[dreg:$0x1] =	wrdreg $0xFFFFFFFF  }
0xc1: {  	_ =	task.clear_ibuf [dreg:s7], $0x2FFFF;
	_ =	strace $0x9FFFFFFF  }
0xc2: {  	(tm) =	ssettm $0x7FFFFFFF  }
0xc3: {  	_ =	shalt  }
tec
execute0_lowered:
.L_overlay_start_1:
0x0: {  	(tag) =	ssettag $0x1  }
0x1: {  	s1 =	srdreg.scid;
	s6 =	rddreg [dreg:$0x0]  }
0x2: {  	s0 =	stileid.u32;
	s2 =	rddreg [dreg:$0x1];
	s4 =	simm.s32 $0x1  }
0x3: {  	s3 =	simm.s32 $0x0;
	s12 =	simm.s32 $0x1A580;
	s8 =	sand.u32 $0x1, s1  }
0x4: {  	s13 =	simm.s32 $0x1AD80;
	s14 =	simm.s32 $0x1B580;
	s1 =	sor.u32 s8, s0  }
0x5: {  	s15 =	simm.s32 $0x1BD80;
	p1 =	seq.s32 s8, $0x1;
	p0 =	seq.s32 s1, $0x0  }
0x6: {  	s16 =	simm.s32 $0x1C580;
	s17 =	simm.s32 $0x1CD80;
	p0 =	por !p0, !p1  }
0x7: {  	s18 =	simm.s32 $0x0;
	[smem:$0x7FF] =	sst s3;
	p0 =	por !p0, !p0  }
0x8: {  	s5 =	sadd.s32 $0xA00, s6;
	s6 =	sadd.s32 $0x4000, s6;
	s4 =	simm.s32 @!p0 $0x0  }
0x9: {  	s7 =	ssub.s32 $0x2, s8;
	s8 =	sshll.u32 s8, $0x11;
	s4 =	ssub.s32 s0, s4  }
0xa: {  	s1 =	rddreg [dreg:$0x2];
	s9 =	sshrl.u32 s7, $0x1;
	s4 =	smul.u32 $0xC0000, s4  }
0xb: {  	_ =	strace $0x8000004A;
	s11 =	ssub.s32 s7, s9;
	s7 =	simm.s32 $0x1  }
0xc: {  	s11 =	smax.u32 s11, $0x1;
	s9 =	sadd.s32 $0x40000, s4;
	s10 =	sadd.s32 $0x80000, s4  }
.LBB2_1:
0xd: {  	[tilespmem:s3], [sflag:$0x1] =	stream.linear.gather [hbm4b:s5+s3], $0x1A580, $0x38;
	[tilespmem:$0x1D580] =	vst v63  }
0xe: {  	_ =	swait.ge [sflag:s7], $0x1A580  }
0xf: {  	[sflag:s7] =	ssyncset.done $0x0  }
0x10: {  	s19 =	simm.s32 $0x0;
	[sflag:s7] =	ssyncadd.s32 $0xFFFE5A80  }
.LBB2_2:
0x11: {  	s20 =	sshll.u32 s19, $0xB  }
0x12: {  	s22 =	sadd.s32 s8, s20  }
0x13: {  	s20 =	sor.u32 s4, s22  }
0x14: {  	s20 =	sshrl.u32 s20, $0x3  }
0x15: {  	s23 =	simm.s32 $0x0;
	s21 =	sadd.s32 s2, s20  }
0x16: {  	[tilespmem:s12], [sflag:$0x1] =	stream.linear.gather [hbm4b:s21+s23], $0x800, $0x38;
	[tilespmem:$0x1D580] =	vst v63  }
0x17: {  	s30 =	sadd.s32 s9, s22;
	_ =	swait.ge [sflag:s7], $0x800  }
0x18: {  	s21 =	sshrl.u32 s30, $0x3;
	[sflag:s7] =	ssyncset.done $0x0  }
0x19: {  	s24 =	sadd.s32 s2, s21;
	[sflag:s7] =	ssyncadd.s32 $0xFFFFF800  }
0x1a: {  	[tilespmem:s13], [sflag:$0x1] =	stream.linear.gather [hbm4b:s24+s23], $0x800, $0x38;
	[tilespmem:$0x1D580] =	vst v63  }
0x1b: {  	s22 =	sadd.s32 s10, s22;
	_ =	swait.ge [sflag:s7], $0x800  }
0x1c: {  	s22 =	sshrl.u32 s22, $0x3;
	[sflag:s7] =	ssyncset.done $0x0  }
0x1d: {  	s31 =	sadd.s32 s2, s22;
	[sflag:s7] =	ssyncadd.s32 $0xFFFFF800  }
0x1e: {  	[tilespmem:s14], [sflag:$0x1] =	stream.linear.gather [hbm4b:s31+s23], $0x800, $0x38;
	[tilespmem:$0x1D580] =	vst v63  }
0x1f: {  	_ =	swait.ge [sflag:s7], $0x800  }
0x20: {  	[sflag:s7] =	ssyncset.done $0x0  }
0x21: {  	s23 =	simm.s32 $0x0;
	[sflag:s7] =	ssyncadd.s32 $0xFFFFF800  }
0x22: {  	v0 =	vld [tilespmem:s23+$0x1AD80]  }
0x23: {  	v1 =	vld [tilespmem:s23+$0x1B580]  }
0x24: {  	v2 =	vld [tilespmem:s23+$0x1A580];
	_ =	sdelay $0x2  }
0x25: {  	v0 =	vmul.f32 $3.199996760e+01, v0  }
0x26: {  	v1 =	vmul.f32 $3.199996760e+01, v1  }
0x27: {  	v2 =	vmul.f32 $3.199996760e+01, v2;
	v3 =	vtrunc.f32 v0  }
0x28: {  	v4 =	vtrunc.f32 v1;
	v3 =	vcvt.f32.s32 v3  }
0x29: {  	v5 =	vtrunc.f32 v2;
	v4 =	vcvt.f32.s32 v4  }
0x2a: {  	v5 =	vcvt.f32.s32 v5;
	v6 =	vmul.u32 $0x21, v3  }
0x2b: {  	v7 =	vmul.u32 $0x441, v4  }
0x2c: {  	v6 =	vadd.s32 v5, v6  }
0x2d: {  	v3 =	vcvt.s32.f32 v3;
	v8 =	vadd.s32 v7, v6  }
0x2e: {  	v4 =	vcvt.s32.f32 v4;
	v6 =	vadd.s32 $0x1, v8  }
0x2f: {  	v9 =	vsub.f32 v0, v3  }
0x30: {  	v7 =	vsub.f32 v1, v4;
	v1 =	vcvt.s32.f32 v5;
	v0 =	vadd.s32 $0x21, v8  }
0x31: {  	v4 =	vsub.f32 $1.000000000e+00, v9  }
0x32: {  	v5 =	vadd.s32 $0x22, v8;
	v3 =	vsub.f32 $1.000000000e+00, v7;
	v11 =	vsub.f32 v2, v1;
	v10 =	vld.idx.msk [tilespmem:v8+s3+$0x0], $0xffff  }
0x33: {  	v6 =	vld.idx.msk [tilespmem:v6+s3+$0x0], $0xffff  }
0x34: {  	v12 =	vadd.s32 $0x441, v8;
	v1 =	vmul.f32 v3, v4;
	v13 =	vsub.f32 $1.000000000e+00, v11  }
0x35: {  	v3 =	vmul.f32 v3, v9;
	v14 =	vld.idx.msk [tilespmem:v0+s3+$0x0], $0xffff  }
0x36: {  	v15 =	vadd.s32 $0x442, v8;
	v2 =	vmul.f32 v1, v13;
	v1 =	vmul.f32 v1, v11  }
0x37: {  	v5 =	vld.idx.msk [tilespmem:v5+s3+$0x0], $0xffff;
	v0 =	vmul.f32 v3, v13  }
0x38: {  	v16 =	vadd.s32 $0x462, v8;
	v10 =	vmul.f32 v2, v10;
	v6 =	vmul.f32 v1, v6  }
0x39: {  	v17 =	vadd.s32 $0x463, v8;
	v18 =	vmul.f32 v7, v4;
	v12 =	vld.idx.msk [tilespmem:v12+s3+$0x0], $0xffff  }
0x3a: {  	v3 =	vmul.f32 v3, v11;
	v6 =	vadd.f32 v6, v10;
	v10 =	vmul.f32 v0, v14  }
0x3b: {  	v14 =	vld.idx.msk [tilespmem:v15+s3+$0x0], $0xffff  }
0x3c: {  	v4 =	vmul.f32 v18, v13;
	v6 =	vadd.f32 v6, v10;
	v10 =	vmul.f32 v3, v5  }
0x3d: {  	v7 =	vmul.f32 v7, v9;
	v15 =	vld.idx.msk [tilespmem:v16+s3+$0x0], $0xffff  }
0x3e: {  	v5 =	vmul.f32 v18, v11;
	v9 =	vadd.f32 v6, v10;
	v10 =	vmul.f32 v4, v12  }
0x3f: {  	v12 =	vld.idx.msk [tilespmem:v17+s3+$0x0], $0xffff  }
0x40: {  	v6 =	vmul.f32 v7, v13;
	v9 =	vadd.f32 v9, v10;
	v10 =	vmul.f32 v14, v5;
	_ =	sdelay $0x1  }
0x41: {  	v7 =	vmul.f32 v7, v11;
	v9 =	vadd.f32 v9, v10;
	v10 =	vmul.f32 v15, v6;
	_ =	sdelay $0x1  }
0x42: {  	v11 =	vadd.s32 $0x8C61, v8;
	v9 =	vadd.f32 v9, v10;
	v10 =	vmul.f32 v12, v7  }
0x43: {  	v12 =	vadd.s32 $0x8C62, v8  }
0x44: {  	v9 =	vadd.f32 v9, v10  }
0x45: {  	v10 =	vadd.s32 $0x8C82, v8  }
0x46: {  	[tilespmem:s23+$0x1BD80] =	vst v9  }
0x47: {  	v9 =	vld.idx.msk [tilespmem:v11+s3+$0x0], $0xffff;
	v11 =	vadd.s32 $0x8C83, v8  }
0x48: {  	v12 =	vld.idx.msk [tilespmem:v12+s3+$0x0], $0xffff  }
0x49: {  	v13 =	vadd.s32 $0x90A2, v8  }
0x4a: {  	v10 =	vld.idx.msk [tilespmem:v10+s3+$0x0], $0xffff  }
0x4b: {  	v14 =	vadd.s32 $0x90A3, v8  }
0x4c: {  	v11 =	vld.idx.msk [tilespmem:v11+s3+$0x0], $0xffff  }
0x4d: {  	v15 =	vadd.s32 $0x90C3, v8;
	v9 =	vmul.f32 v9, v2;
	v12 =	vmul.f32 v12, v1  }
0x4e: {  	v13 =	vld.idx.msk [tilespmem:v13+s3+$0x0], $0xffff  }
0x4f: {  	v16 =	vadd.s32 $0x90C4, v8;
	v9 =	vadd.f32 v12, v9;
	v10 =	vmul.f32 v10, v0  }
0x50: {  	v12 =	vld.idx.msk [tilespmem:v14+s3+$0x0], $0xffff  }
0x51: {  	v9 =	vadd.f32 v10, v9;
	v10 =	vmul.f32 v11, v3  }
0x52: {  	v11 =	vld.idx.msk [tilespmem:v15+s3+$0x0], $0xffff  }
0x53: {  	v9 =	vadd.f32 v10, v9;
	v10 =	vmul.f32 v13, v4  }
0x54: {  	s24 =	simm.s32 $0x10;
	v13 =	vld.idx.msk [tilespmem:v16+s3+$0x0], $0xffff  }
0x55: {  	v14 =	vld [tilespmem:s24+$0x1B580];
	v9 =	vadd.f32 v10, v9;
	v10 =	vmul.f32 v12, v5  }
0x56: {  	v12 =	vld [tilespmem:s24+$0x1AD80]  }
0x57: {  	v15 =	vld [tilespmem:s24+$0x1A580];
	v9 =	vadd.f32 v10, v9;
	v10 =	vmul.f32 v11, v6;
	_ =	sdelay $0x1  }
0x58: {  	v16 =	vadd.s32 $0x118C2, v8;
	v13 =	vmul.f32 v13, v7;
	v9 =	vadd.f32 v10, v9  }
0x59: {  	v21 =	vmul.f32 $3.199996760e+01, v14;
	v14 =	vadd.s32 $0x118C3, v8  }
0x5a: {  	v11 =	vmul.f32 $3.199996760e+01, v12;
	v12 =	vadd.s32 $0x118E3, v8;
	v9 =	vadd.f32 v13, v9  }
0x5b: {  	v23 =	vadd.s32 $0x118E4, v8;
	v10 =	vmul.f32 $3.199996760e+01, v15;
	v13 =	vtrunc.f32 v21  }
0x5c: {  	v17 =	vadd.s32 $0x11D03, v8;
	v19 =	vcvt.f32.s32 v13;
	[tilespmem:s23+$0x1C580] =	vst v9;
	v9 =	vtrunc.f32 v11  }
0x5d: {  	v15 =	vadd.s32 $0x11D04, v8;
	v24 =	vtrunc.f32 v10;
	v18 =	vld.idx.msk [tilespmem:v16+s3+$0x0], $0xffff;
	v13 =	vcvt.f32.s32 v9  }
0x5e: {  	v9 =	vcvt.s32.f32 v19;
	v20 =	vld.idx.msk [tilespmem:v14+s3+$0x0], $0xffff;
	v14 =	vmul.u32 $0x441, v19;
	v19 =	vadd.s32 $0x11D24, v8  }
0x5f: {  	v16 =	vadd.s32 $0x11D25, v8;
	v22 =	vld.idx.msk [tilespmem:v12+s3+$0x0], $0xffff;
	v12 =	vcvt.f32.s32 v24;
	v8 =	vmul.u32 $0x21, v13  }
0x60: {  	s25 =	simm.s32 $0x80;
	v9 =	vsub.f32 v21, v9;
	v21 =	vld.idx.msk [tilespmem:v23+s3+$0x0], $0xffff  }
.LBB2_3:
0x61: {  	p0 =	sne.s32 s25, $0x1FC0;
	v8 =	vadd.s32 v12, v8;
	v17 =	vld.idx.msk [tilespmem:v17+s3+$0x0], $0xffff;
	s26 =	smov.u32 s25;
	s25 =	sadd.s32 $0x40, s25  }
0x62: {  	v13 =	vcvt.s32.f32 v13;
	v8 =	vadd.s32 v14, v8;
	v14 =	vld.idx.msk [tilespmem:v15+s3+$0x0], $0xffff  }
0x63: {  	v2 =	vmul.f32 v18, v2;
	v15 =	vadd.s32 $0x1, v8;
	v18 =	vld.idx.msk [tilespmem:v19+s3+$0x0], $0xffff  }
0x64: {  	v11 =	vsub.f32 v11, v13;
	v1 =	vmul.f32 v20, v1;
	v13 =	vld.idx.msk [tilespmem:v16+s3+$0x0], $0xffff;
	_ =	sdelay $0x1  }
0x65: {  	v16 =	vsub.f32 $1.000000000e+00, v9;
	v0 =	vmul.f32 v22, v0;
	v1 =	vadd.f32 v1, v2  }
0x66: {  	v19 =	vsub.f32 $1.000000000e+00, v11  }
0x67: {  	v20 =	vmul.f32 v16, v11;
	v0 =	vadd.f32 v0, v1;
	v1 =	vmul.f32 v21, v3  }
0x68: {  	v3 =	vmul.f32 v16, v19  }
0x69: {  	v0 =	vadd.f32 v1, v0;
	v1 =	vmul.f32 v17, v4;
	_ =	sdelay $0x1  }
0x6a: {  	v0 =	vadd.f32 v1, v0;
	v1 =	vmul.f32 v14, v5;
	_ =	sdelay $0x1  }
0x6b: {  	v0 =	vadd.f32 v1, v0;
	v1 =	vmul.f32 v18, v6;
	_ =	sdelay $0x1  }
0x6c: {  	v0 =	vadd.f32 v1, v0;
	v1 =	vmul.f32 v13, v7;
	_ =	sdelay $0x1  }
0x6d: {  	v0 =	vadd.f32 v1, v0  }
0x6e: {  	v1 =	vadd.s32 $0x21, v8  }
0x6f: {  	v2 =	vcvt.s32.f32 v12;
	[tilespmem:s23+$0x1CD80] =	vst v0;
	s23 =	smov.u32 s24  }
0x70: {  	v0 =	vadd.s32 $0x22, v8;
	v4 =	vld.idx.msk [tilespmem:v8+s3+$0x0], $0xffff  }
0x71: {  	v7 =	vsub.f32 v10, v2;
	v5 =	vld.idx.msk [tilespmem:v15+s3+$0x0], $0xffff  }
0x72: {  	v6 =	vadd.s32 $0x441, v8  }
0x73: {  	v10 =	vsub.f32 $1.000000000e+00, v7;
	v12 =	vld.idx.msk [tilespmem:v1+s3+$0x0], $0xffff  }
0x74: {  	v13 =	vadd.s32 $0x442, v8  }
0x75: {  	v2 =	vmul.f32 v3, v10;
	v1 =	vmul.f32 v3, v7;
	v14 =	vld.idx.msk [tilespmem:v0+s3+$0x0], $0xffff  }
0x76: {  	v15 =	vadd.s32 $0x462, v8;
	v0 =	vmul.f32 v20, v10  }
0x77: {  	v4 =	vmul.f32 v2, v4;
	v5 =	vmul.f32 v1, v5;
	v6 =	vld.idx.msk [tilespmem:v6+s3+$0x0], $0xffff  }
0x78: {  	v16 =	vadd.s32 $0x463, v8;
	v17 =	vmul.f32 v9, v19  }
0x79: {  	v3 =	vmul.f32 v20, v7;
	v5 =	vadd.f32 v5, v4;
	v12 =	vmul.f32 v0, v12;
	v13 =	vld.idx.msk [tilespmem:v13+s3+$0x0], $0xffff;
	_ =	sdelay $0x1  }
0x7a: {  	v4 =	vmul.f32 v17, v10;
	v12 =	vadd.f32 v5, v12;
	v14 =	vmul.f32 v3, v14;
	v15 =	vld.idx.msk [tilespmem:v15+s3+$0x0], $0xffff  }
0x7b: {  	v9 =	vmul.f32 v9, v11  }
0x7c: {  	v5 =	vmul.f32 v17, v7;
	v11 =	vadd.f32 v12, v14;
	v12 =	vmul.f32 v4, v6;
	v14 =	vld.idx.msk [tilespmem:v16+s3+$0x0], $0xffff;
	_ =	sdelay $0x1  }
0x7d: {  	v6 =	vmul.f32 v9, v10;
	v10 =	vadd.f32 v11, v12;
	v11 =	vmul.f32 v13, v5;
	_ =	sdelay $0x1  }
0x7e: {  	v7 =	vmul.f32 v9, v7;
	v9 =	vadd.f32 v10, v11;
	v10 =	vmul.f32 v15, v6;
	_ =	sdelay $0x1  }
0x7f: {  	v11 =	vadd.s32 $0x8C61, v8;
	v9 =	vadd.f32 v9, v10;
	v10 =	vmul.f32 v14, v7  }
0x80: {  	v12 =	vadd.s32 $0x8C62, v8  }
0x81: {  	v9 =	vadd.f32 v9, v10  }
0x82: {  	v10 =	vadd.s32 $0x8C82, v8  }
0x83: {  	[tilespmem:s23+$0x1BD80] =	vst v9  }
0x84: {  	v9 =	vld.idx.msk [tilespmem:v11+s3+$0x0], $0xffff;
	v11 =	vadd.s32 $0x8C83, v8  }
0x85: {  	v12 =	vld.idx.msk [tilespmem:v12+s3+$0x0], $0xffff  }
0x86: {  	v13 =	vadd.s32 $0x90A2, v8  }
0x87: {  	v10 =	vld.idx.msk [tilespmem:v10+s3+$0x0], $0xffff  }
0x88: {  	v14 =	vadd.s32 $0x90A3, v8  }
0x89: {  	v11 =	vld.idx.msk [tilespmem:v11+s3+$0x0], $0xffff  }
0x8a: {  	v15 =	vadd.s32 $0x90C3, v8;
	v9 =	vmul.f32 v9, v2  }
0x8b: {  	v16 =	vadd.s32 $0x90C4, v8;
	v12 =	vmul.f32 v12, v1;
	v13 =	vld.idx.msk [tilespmem:v13+s3+$0x0], $0xffff;
	_ =	sdelay $0x1  }
0x8c: {  	v9 =	vadd.f32 v12, v9;
	v10 =	vmul.f32 v10, v0;
	v12 =	vld.idx.msk [tilespmem:v14+s3+$0x0], $0xffff;
	_ =	sdelay $0x1  }
0x8d: {  	v9 =	vadd.f32 v10, v9;
	v10 =	vmul.f32 v11, v3;
	v11 =	vld.idx.msk [tilespmem:v15+s3+$0x0], $0xffff  }
0x8e: {  	s24 =	sshra.s32 s26, $0x2;
	v14 =	vld.idx.msk [tilespmem:v16+s3+$0x0], $0xffff  }
0x8f: {  	v9 =	vadd.f32 v10, v9;
	v10 =	vmul.f32 v13, v4;
	v15 =	vld [tilespmem:s24+$0x1B580]  }
0x90: {  	v13 =	vld [tilespmem:s24+$0x1AD80]  }
0x91: {  	v9 =	vadd.f32 v10, v9;
	v10 =	vmul.f32 v12, v5;
	v16 =	vld [tilespmem:s24+$0x1A580];
	_ =	sdelay $0x1  }
0x92: {  	v9 =	vadd.f32 v10, v9;
	v10 =	vmul.f32 v11, v6  }
0x93: {  	v18 =	vadd.s32 $0x118C2, v8;
	v12 =	vmul.f32 v14, v7  }
0x94: {  	v21 =	vmul.f32 $3.199996760e+01, v15;
	v9 =	vadd.f32 v10, v9;
	v11 =	vmul.f32 $3.199996760e+01, v13  }
0x95: {  	v10 =	vmul.f32 $3.199996760e+01, v16;
	v16 =	vadd.s32 $0x118C3, v8  }
0x96: {  	v22 =	vadd.s32 $0x118E3, v8;
	v13 =	vtrunc.f32 v21;
	v9 =	vadd.f32 v12, v9  }
0x97: {  	v23 =	vadd.s32 $0x118E4, v8;
	v12 =	vtrunc.f32 v11;
	v14 =	vcvt.f32.s32 v13  }
.Ltmp0:
0x98: {  	v17 =	vadd.s32 $0x11D03, v8;
	v15 =	vadd.s32 $0x11D04, v8;
	v24 =	vtrunc.f32 v10;
	[tilespmem:s23+$0x1C580] =	vst v9;
	(pc) =	sbr.rel @p0 .LBB2_3-.Ltmp0, $4  }
0x99: {  	v13 =	vcvt.f32.s32 v12;
	v9 =	vcvt.s32.f32 v14;
	v14 =	vmul.u32 $0x441, v14;
	v18 =	vld.idx.msk [tilespmem:v18+s3+$0x0], $0xffff  }
0x9a: {  	v19 =	vadd.s32 $0x11D24, v8;
	v20 =	vld.idx.msk [tilespmem:v16+s3+$0x0], $0xffff;
	v16 =	vadd.s32 $0x11D25, v8  }
0x9b: {  	v12 =	vcvt.f32.s32 v24;
	v9 =	vsub.f32 v21, v9;
	v8 =	vmul.u32 $0x21, v13;
	v22 =	vld.idx.msk [tilespmem:v22+s3+$0x0], $0xffff  }
0x9c: {  	v21 =	vld.idx.msk [tilespmem:v23+s3+$0x0], $0xffff  }
0x9d: {  	_ =	sdelay $0x2  }
0x9e: {  	v2 =	vmul.f32 v18, v2;
	v1 =	vmul.f32 v20, v1  }
0x9f: {  	v17 =	vld.idx.msk [tilespmem:v17+s3+$0x0], $0xffff  }
0xa0: {  	v0 =	vmul.f32 v22, v0;
	v1 =	vadd.f32 v1, v2  }
0xa1: {  	v46 =	vld.idx.msk [tilespmem:v15+s3+$0x0], $0xffff  }
0xa2: {  	v47 =	vmul.f32 v21, v3;
	v0 =	vadd.f32 v0, v1  }
0xa3: {  	v48 =	vld.idx.msk [tilespmem:v19+s3+$0x0], $0xffff  }
0xa4: {  	v49 =	vmul.f32 v17, v4;
	v0 =	vadd.f32 v47, v0  }
0xa5: {  	v50 =	vld.idx.msk [tilespmem:v16+s3+$0x0], $0xffff  }
0xa6: {  	v51 =	vmul.f32 v46, v5;
	v0 =	vadd.f32 v49, v0;
	_ =	sdelay $0x1  }
0xa7: {  	v52 =	vmul.f32 v48, v6;
	v0 =	vadd.f32 v51, v0  }
0xa8: {  	v53 =	vadd.s32 v12, v8  }
0xa9: {  	v2 =	vadd.s32 v14, v53;
	v54 =	vmul.f32 v50, v7;
	v0 =	vadd.f32 v52, v0  }
0xaa: {  	v55 =	vcvt.s32.f32 v13;
	v56 =	vadd.s32 $0x1, v2  }
0xab: {  	v0 =	vadd.f32 v54, v0  }
0xac: {  	v59 =	vcvt.s32.f32 v12;
	v57 =	vsub.f32 v11, v55;
	v58 =	vadd.s32 $0x21, v2  }
0xad: {  	v60 =	vsub.f32 $1.000000000e+00, v9;
	[tilespmem:s23+$0x1CD80] =	vst v0  }
0xae: {  	v61 =	vsub.f32 $1.000000000e+00, v57;
	v62 =	vadd.s32 $0x22, v2;
	v5 =	vsub.f32 v10, v59;
	v63 =	vld.idx.msk [tilespmem:v2+s3+$0x0], $0xffff  }
0xaf: {  	v4 =	vld.idx.msk [tilespmem:v56+s3+$0x0], $0xffff  }
0xb0: {  	v20 =	vadd.s32 $0x441, v2;
	v19 =	vmul.f32 v60, v61;
	v21 =	vsub.f32 $1.000000000e+00, v5  }
0xb1: {  	v6 =	vmul.f32 v60, v57;
	v3 =	vld.idx.msk [tilespmem:v58+s3+$0x0], $0xffff  }
0xb2: {  	v22 =	vadd.s32 $0x442, v2;
	v10 =	vmul.f32 v19, v5;
	v23 =	vmul.f32 v19, v21  }
0xb3: {  	v24 =	vmul.f32 v6, v21;
	v7 =	vld.idx.msk [tilespmem:v62+s3+$0x0], $0xffff  }
0xb4: {  	v25 =	vadd.s32 $0x462, v2;
	v8 =	vmul.f32 v23, v63;
	v4 =	vmul.f32 v10, v4  }
0xb5: {  	v26 =	vadd.s32 $0x463, v2;
	v6 =	vmul.f32 v6, v5;
	v11 =	vld.idx.msk [tilespmem:v20+s3+$0x0], $0xffff  }
0xb6: {  	v0 =	vmul.f32 v9, v61;
	v3 =	vmul.f32 v24, v3;
	v4 =	vadd.f32 v4, v8  }
0xb7: {  	v27 =	vld.idx.msk [tilespmem:v22+s3+$0x0], $0xffff  }
0xb8: {  	v28 =	vmul.f32 v0, v21;
	v29 =	vmul.f32 v6, v7;
	v3 =	vadd.f32 v4, v3  }
0xb9: {  	v1 =	vmul.f32 v9, v57;
	v30 =	vld.idx.msk [tilespmem:v25+s3+$0x0], $0xffff  }
0xba: {  	v0 =	vmul.f32 v0, v5;
	v31 =	vmul.f32 v28, v11;
	v3 =	vadd.f32 v3, v29  }
0xbb: {  	v32 =	vld.idx.msk [tilespmem:v26+s3+$0x0], $0xffff  }
0xbc: {  	v33 =	vmul.f32 v1, v21;
	v34 =	vmul.f32 v27, v0;
	v3 =	vadd.f32 v3, v31;
	_ =	sdelay $0x1  }
0xbd: {  	v1 =	vmul.f32 v1, v5;
	v35 =	vmul.f32 v30, v33;
	v3 =	vadd.f32 v3, v34;
	_ =	sdelay $0x1  }
0xbe: {  	v37 =	vadd.s32 $0x8C61, v2;
	v36 =	vmul.f32 v32, v1;
	v3 =	vadd.f32 v3, v35  }
0xbf: {  	v38 =	vadd.s32 $0x8C62, v2  }
0xc0: {  	v3 =	vadd.f32 v3, v36  }
0xc1: {  	v39 =	vadd.s32 $0x8C82, v2  }
0xc2: {  	[tilespmem:s24+$0x1BD80] =	vst v3  }
0xc3: {  	v40 =	vadd.s32 $0x8C83, v2;
	v3 =	vld.idx.msk [tilespmem:v37+s3+$0x0], $0xffff  }
0xc4: {  	v7 =	vld.idx.msk [tilespmem:v38+s3+$0x0], $0xffff  }
0xc5: {  	v41 =	vadd.s32 $0x90A2, v2  }
0xc6: {  	v4 =	vld.idx.msk [tilespmem:v39+s3+$0x0], $0xffff  }
0xc7: {  	v42 =	vadd.s32 $0x90A3, v2  }
0xc8: {  	v5 =	vld.idx.msk [tilespmem:v40+s3+$0x0], $0xffff  }
0xc9: {  	v43 =	vadd.s32 $0x90C3, v2;
	v3 =	vmul.f32 v3, v23;
	v7 =	vmul.f32 v7, v10  }
0xca: {  	v8 =	vld.idx.msk [tilespmem:v41+s3+$0x0], $0xffff  }
0xcb: {  	v44 =	vadd.s32 $0x90C4, v2;
	v4 =	vmul.f32 v4, v24;
	v3 =	vadd.f32 v7, v3  }
0xcc: {  	v45 =	vld.idx.msk [tilespmem:v42+s3+$0x0], $0xffff  }
0xcd: {  	v46 =	vmul.f32 v5, v6;
	v3 =	vadd.f32 v4, v3  }
0xce: {  	v47 =	vld.idx.msk [tilespmem:v43+s3+$0x0], $0xffff  }
0xcf: {  	v48 =	vmul.f32 v8, v28;
	v3 =	vadd.f32 v46, v3  }
0xd0: {  	v49 =	vld.idx.msk [tilespmem:v44+s3+$0x0], $0xffff  }
0xd1: {  	v50 =	vmul.f32 v45, v0;
	v3 =	vadd.f32 v48, v3;
	_ =	sdelay $0x1  }
0xd2: {  	v51 =	vmul.f32 v47, v33;
	v3 =	vadd.f32 v50, v3;
	_ =	sdelay $0x1  }
0xd3: {  	v53 =	vadd.s32 $0x118C2, v2;
	v52 =	vmul.f32 v49, v1;
	v3 =	vadd.f32 v51, v3  }
0xd4: {  	v54 =	vadd.s32 $0x118C3, v2  }
0xd5: {  	v3 =	vadd.f32 v52, v3  }
0xd6: {  	v55 =	vadd.s32 $0x118E3, v2  }
0xd7: {  	[tilespmem:s24+$0x1C580] =	vst v3  }
0xd8: {  	v56 =	vadd.s32 $0x118E4, v2;
	v7 =	vld.idx.msk [tilespmem:v53+s3+$0x0], $0xffff  }
0xd9: {  	v4 =	vld.idx.msk [tilespmem:v54+s3+$0x0], $0xffff  }
0xda: {  	v57 =	vadd.s32 $0x11D03, v2  }
0xdb: {  	v5 =	vld.idx.msk [tilespmem:v55+s3+$0x0], $0xffff  }
0xdc: {  	v58 =	vadd.s32 $0x11D04, v2  }
0xdd: {  	v3 =	vld.idx.msk [tilespmem:v56+s3+$0x0], $0xffff  }
0xde: {  	v59 =	vadd.s32 $0x11D24, v2;
	v7 =	vmul.f32 v7, v23;
	v4 =	vmul.f32 v4, v10  }
0xdf: {  	v8 =	vld.idx.msk [tilespmem:v57+s3+$0x0], $0xffff  }
0xe0: {  	v2 =	vadd.s32 $0x11D25, v2;
	v5 =	vmul.f32 v5, v24;
	v4 =	vadd.f32 v4, v7  }
0xe1: {  	v60 =	vld.idx.msk [tilespmem:v58+s3+$0x0], $0xffff  }
0xe2: {  	v3 =	vmul.f32 v3, v6;
	v4 =	vadd.f32 v5, v4  }
0xe3: {  	v61 =	vld.idx.msk [tilespmem:v59+s3+$0x0], $0xffff  }
0xe4: {  	v62 =	vmul.f32 v8, v28;
	v3 =	vadd.f32 v3, v4  }
0xe5: {  	v2 =	vld.idx.msk [tilespmem:v2+s3+$0x0], $0xffff  }
0xe6: {  	v0 =	vmul.f32 v60, v0;
	v3 =	vadd.f32 v62, v3;
	_ =	sdelay $0x1  }
0xe7: {  	v63 =	vmul.f32 v61, v33;
	v0 =	vadd.f32 v0, v3;
	_ =	sdelay $0x1  }
0xe8: {  	v1 =	vmul.f32 v2, v1;
	v0 =	vadd.f32 v63, v0;
	_ =	sdelay $0x1  }
0xe9: {  	v0 =	vadd.f32 v1, v0;
	_ =	sdelay $0x1  }
0xea: {  	s20 =	sadd.s32 s6, s20;
	[tilespmem:s24+$0x1CD80] =	vst v0  }
0xeb: {  	[hbm4b:s20+s3] =	stream.linear.scatter [tilespmem:s15], [sflag:$0x1], $0x800, $0x38;
	[tilespmem:$0x1D580] =	vst v63  }
0xec: {  	_ =	swait.ge [sflag:s7], $0x800  }
0xed: {  	[sflag:s7] =	ssyncset.done $0x0  }
0xee: {  	s30 =	sadd.s32 s6, s21;
	[sflag:s7] =	ssyncadd.s32 $0xFFFFF800  }
0xef: {  	[hbm4b:s30+s3] =	stream.linear.scatter [tilespmem:s16], [sflag:$0x1], $0x800, $0x38;
	[tilespmem:$0x1D580] =	vst v63  }
0xf0: {  	s19 =	sadd.s32 $0x1, s19;
	_ =	swait.ge [sflag:s7], $0x800  }
0xf1: {  	p0 =	sne.s32 s19, $0x40;
	[sflag:s7] =	ssyncset.done $0x0  }
.Ltmp1:
0xf2: {  	s31 =	sadd.s32 s6, s22;
	[sflag:s7] =	ssyncadd.s32 $0xFFFFF800;
	(pc) =	sbr.rel @p0 .LBB2_2-.Ltmp1, $4  }
0xf3: {  	[hbm4b:s31+s3] =	stream.linear.scatter [tilespmem:s17], [sflag:$0x1], $0x800, $0x38;
	[tilespmem:$0x1D580] =	vst v63  }
0xf4: {  	_ =	swait.ge [sflag:s7], $0x800  }
0xf5: {  	[sflag:s7] =	ssyncset.done $0x0  }
0xf6: {  	[sflag:s7] =	ssyncadd.s32 $0xFFFFF800  }
0xf7: {  	s18 =	sadd.s32 $0x1, s18  }
0xf8: {  	p0 =	sne.s32 s18, s11  }
.Ltmp2:
0xf9: {  	_ = 	snop;
	(pc) =	sbr.rel @p0 .LBB2_1-.Ltmp2, $1  }
0xfa: {  	_ =	sdelay $0x3  }
0xfb: {  	_ =	sfence.sel $0x180000  }
0xfc: {  	[bflag:$0x0] =	sbarrier.arrive $0xFFFF  }
0xfd: {  	p0 =	sne.s32 s0, $0x0;
	_ =	strace $0x9000004A  }
0xfe: {  	s0 =	sadd.s32 @!p0 $0x100000, s1;
	[bflag:$0x2] =	sbarrier.arrive $0xFFFF  }
0xff: {  	[sflag:s0] =	ssyncadd.tile.s32 @!p0 $0x1;
	_ =	shalt  }
.Lfunc_end2:
_tile_overlayer_lowered:
.L_overlay_start_2:
0x100: {  	(tag) =	ssettag $0x2  }
0x101: {  	s0 =	rddreg [dreg:$0x0];
	s2 =	stileid.u32  }
0x102: {  	s1 =	rddreg [dreg:$0x1];
	p0 =	sne.s32 s2, $0x0  }
0x103: {  	s3 =	rddreg [dreg:$0x2];
	[bflag:$0x3] =	sbarrier.arrive $0xFFFF;
	s2 =	simm.s32 @!p0 $0x1C01  }
0x104: {  	[timem:s3], [sflag:s2] =	dma.local @!p0 [hbm:s0], s1  }
0x105: {  	s0 =	simm.s32 @!p0 $0x1  }
0x106: {  	_ =	swait.ge @!p0 [sflag:s0], s1  }
0x107: {  	s1 =	ssub.s32 @!p0 $0x0, s1;
	[sflag:s0] =	ssyncset.done @!p0 $0x0  }
0x108: {  	[sflag:s0] =	ssyncadd.s32 @!p0 s1  }
0x109: {  	[bflag:$0x3] =	sbarrier.arrive $0xFFFF  }
0x10a: {  	_ =	shalt  }

// kernel: sparse-core-data-format-call.cloned.1.call-start
scs
called_computation_lowered:
.L_overlay_start_0:
0x0: {  	s2 =	sld [smem:$0x3FD9]  }
0x1: {  	s3 =	sld [smem:$0x3FFE];
	_ =	sdelay $0x1  }
0x2: {  	s1 =	srdreg.scid  }
0x3: {  	s0 =	sand.u32 $0x1, s1  }
0x4: {  	s19 =	sshll.u32 s0, $0xA;
	s2 =	sadd.s32 s3, s2  }
0x5: {  	s2 =	sadd.s32 s2, s19  }
0x6: {  	[smem:$0x3FC6] =	sst s2  }
0x7: {  	_ = 	snop  }
0x8: {  	s2 =	sld [smem:$0x3FC8]  }
0x9: {  	s20 =	sld [smem:$0x3FD0];
	(tm) =	ssettm $0x1  }
0xa: {  	s4 =	sld [smem:$0x3FFB];
	_ =	sdelay $0x3  }
0xb: {  	_ =	strace s4  }
0xc: {  	s4 =	sld [smem:$0x3FFC];
	_ =	sdelay $0x3  }
0xd: {  	_ =	strace s4  }
0xe: {  	s4 =	sld [smem:$0x3FFD];
	_ =	sdelay $0x3  }
0xf: {  	_ =	strace s4  }
0x10: {  	_ =	strace $0x8FFFFFFF  }
0x11: {  	s21 =	sld [smem:$0x3FDB];
	_ =	sdelay $0x1  }
0x12: {  	s5 =	simm.s32 $_scs_section_size  }
0x13: {  	s6 =	simm.s32 $_size__tile_overlayer_lowered;
	s7 =	simm.s32 $_tile_overlayer_lowered  }
0x14: {  	s24 =	simm.s32 $0x1BFF;
	s23 =	sshll.u32 s7, $0x1;
	s4 =	sadd.s32 s5, s21  }
0x15: {  	s8 =	simm.s32 $0x0;
	s22 =	sshll.u32 s6, $0x1;
	s6 =	sadd.s32 s23, s4  }
0x16: {  	[timem:s8], [sflag:s24] =	dma.local [hbm:s6], s22  }
0x17: {  	_ =	swait.ge [sflag:s24], s22  }
0x18: {  	s5 =	ssub.s32 $0x0, s22;
	[sflag:s24] =	ssyncset.done $0x0  }
0x19: {  	[sflag:s24] =	ssyncadd.s32 s5;
	_ =	sdelay $0x1  }
0x1a: {  	s25 =	simm.s32 $0x1B8B  }
0x1b: {  	_ =	swait.ge [sflag:s25], $0x1  }
0x1c: {  	[sflag:s25] =	ssyncset.done $0x0  }
0x1d: {  	s26 =	simm.s32 $0x1B8E;
	[sflag:s25] =	ssyncadd.s32 $0xFFFFFFFF  }
0x1e: {  	s27 =	simm.s32 $execute0_lowered;
	[smem:$0x3FD2] =	sst s26  }
0x1f: {  	s5 =	sshll.u32 s27, $0x1;
	_ =	strace $0x80000046;
	[dreg:$0x1] =	wrdreg $0xFFFFFFFF  }
0x20: {  	s28 =	simm.s32 $_size_execute0_lowered;
	s4 =	sadd.s32 s4, s5;
	[dreg:$0x0] =	wrdreg $0x0  }
0x21: {  	s5 =	sshll.u32 s28, $0x1;
	[dreg:$0x2] =	wrdreg s4  }
0x22: {  	[dreg:$0x3] =	wrdreg s5  }
0x23: {  	[dreg:$0x4] =	wrdreg $0xC0  }
0x24: {  	_ =	task [dreg:s8], $0x5FFFF  }
0x25: {  	[dreg:$0x1] =	wrdreg $0xFFFFFFFF  }
0x26: {  	[dreg:$0x0] =	wrdreg $0x60  }
0x27: {  	[dreg:$0x2] =	wrdreg s2  }
0x28: {  	[dreg:$0x3] =	wrdreg s20  }
0x29: {  	[dreg:$0x4] =	wrdreg $0x9  }
0x2a: {  	_ =	task.clear_ibuf [dreg:s8], $0x5FFFF;
	_ =	strace $0x90000046  }
0x2b: {  	s29 =	simm.s32 $0x9;
	_ =	strace $0x80000048  }
0x2c: {  	_ =	swait.ge [sflag:s29], $0x1  }
0x2d: {  	[sflag:s29] =	ssyncadd.s32 $0xFFFFFFFF  }
0x2e: {  	_ =	strace $0x90000048  }
0x2f: {  	_ =	sfence  }
0x30: {  	s30 =	sld [smem:$0x0];
	_ =	sdelay $0x2  }
0x31: {  	s31 =	sshll.u32 s1, $0xD;
	s1 =	sshrl.u32 s1, $0x2  }
0x32: {  	s3 =	sand.u32 $0x4000, s31;
	s1 =	sadd.s32 s1, s30  }
0x33: {  	s0 =	sor.u32 s3, s0;
	s1 =	sshll.u32 s1, $0x11  }
0x34: {  	s0 =	sor.u32 s1, s0  }
0x35: {  	s0 =	sadd.s32 $0x8F2B, s0  }
0x36: {  	[sflag:s0] =	ssyncadd.remote.s32 $0x1  }
0x37: {  	_ =	sfence.sel $0xFFFF  }
0x38: {  	[dreg:$0x0] =	wrdreg $0xFFFFFFFF;
	(pc) =	sbr.abs _section_cstart, $3  }
0x39: {  	[dreg:$0x1] =	wrdreg $0xFFFFFFFF  }
0x3a: {  	_ =	task.clear_ibuf [dreg:s8], $0x2FFFF;
	_ =	strace $0x9FFFFFFF  }
0x3b: {  	(tm) =	ssettm $0x7FFFFFFF  }
tec
execute0_lowered:
.L_overlay_start_1:
0x0: {  	(tag) =	ssettag $0x1  }
0x1: {  	s0 =	srdreg.scid  }
0x2: {  	s1 =	sshll.u32 s0, $0x4  }
0x3: {  	s2 =	rddreg [dreg:$0x0];
	s0 =	stileid.u32;
	s1 =	sand.u32 $0x10, s1  }
0x4: {  	s4 =	rddreg [dreg:$0x1];
	s1 =	sor.u32 s0, s1  }
0x5: {  	s7 =	simm.s32 $0x1;
	s8 =	simm.s32 $0x2;
	s3 =	sshll.u32 s1, $0x2  }
0x6: {  	s9 =	simm.s32 $0x0;
	s12 =	simm.s32 $0x0;
	s6 =	ssub.s32 $0xC00, s3  }
.Ltmp0:
0x7: {  	s11 =	simm.s32 $0x0;
	s5 =	sand.u32 $0x7C, s6;
	(pc) =	sbr.rel .LBB1_1-.Ltmp0, $4  }
0x8: {  	s1 =	rddreg [dreg:$0x2];
	_ =	strace $0x80000047;
	p0 =	sne.s32 s5, $0x0  }
0x9: {  	s6 =	sshrl.u32 s6, $0x7;
	s5 =	simm.s32 $0x1;
	s7 =	simm.s32 @!p0 $0x0  }
0xa: {  	s10 =	smov.u32 s3;
	[sflag:s5] =	ssyncpa.u1 $0x0;
	s6 =	sadd.s32 s7, s6  }
0xb: {  	[sflag:s8] =	ssyncpa.u1 $0x0;
	s8 =	simm.s32 $0x0;
	s7 =	sadd.s32 $0x1, s6  }
.LBB1_9:
0xc: {  	s14 =	sadd.s32 $0x80, s10  }
0xd: {  	p1 =	sgt.s32 s14, $0xBFF  }
0xe: {  	s14 =	smov.u32 @p1 s3;
	p1 =	sne.s32 s11, s7  }
.Ltmp1:
0xf: {  	p0 =	slt.u32 s11, $0x2;
	(pc) =	sbr.rel @!p1 .LBB1_10-.Ltmp1, $4  }
0x10: {  	s13 =	simm.s32 @!p0 $0x2  }
0x11: {  	s15 =	sadd.s32 $0x1, s11;
	_ =	swait.ge @!p0 [sflag:s13], $0x4000  }
0x12: {  	s12 =	smov.u32 s10;
	s9 =	sadd.s32 $0x4000, s9;
	[sflag:s13] =	ssyncset.done @!p0 $0x0  }
0x13: {  	s11 =	smov.u32 s15;
	s10 =	smov.u32 s14;
	[sflag:s13] =	ssyncadd.s32 @!p0 $0xFFFFC000  }
.LBB1_1:
0x14: {  	p0 =	sge.u32 s11, s6  }
0x15: {  	s13 =	sxor.u32 @!p0 $0xFFFFFFFF, s11  }
0x16: {  	s31 =	sadd.s32 $0xFFFFFFFF, s11;
	s14 =	sshll.u32 @!p0 s10, $0x9;
	s13 =	sshll.u32 @!p0 s13, $0xE  }
0x17: {  	s15 =	simm.s32 @!p0 $0x0;
	s14 =	sadd.s32 @!p0 s2, s14;
	s13 =	sand.u32 @!p0 $0x4000, s13  }
0x18: {  	[tilespmem:s13], [sflag:$0x1] =	stream.linear.gather @!p0 [hbm4b:s14+s15], $0x4000, $0x38;
	[tilespmem:$0x10000] =	vst v63  }
0x19: {  	p0 =	sge.u32 s31, s6  }
.Ltmp2:
0x1a: {  	_ = 	snop;
	(pc) =	sbr.rel @p0 .LBB1_9-.Ltmp2, $1  }
0x1b: {  	_ =	sdelay $0x3  }
0x1c: {  	s14 =	sand.u32 $0x4000, s9  }
0x1d: {  	_ =	swait.ge [sflag:s5], $0x4000;
	s15 =	sshll.u32 s11, $0xE;
	s16 =	simm.s32 $0x0  }
0x1e: {  	s13 =	sor.u32 $0x40, s14;
	[sflag:s5] =	ssyncset.done $0x0;
	s15 =	sand.u32 $0x4000, s15  }
0x1f: {  	s14 =	sor.u32 $0x8040, s14;
	[sflag:s5] =	ssyncadd.s32 $0xFFFFC000;
	s15 =	sor.u32 $0x8000, s15  }
.LBB1_3:
0x20: {  	s17 =	smov.u32 s14;
	s18 =	smov.u32 s13;
	s19 =	simm.s32 $0x0  }
.LBB1_4:
0x21: {  	v0 =	vmov s17;
	v2 =	vld [tilespmem:s18+$0x30]  }
0x22: {  	v4 =	vld [tilespmem:s18+$0xFFFFFFD0]  }
0x23: {  	v6 =	vld [tilespmem:s18+$0xFFFFFFE0]  }
0x24: {  	v7 =	vld [tilespmem:s18+$0xFFFFFFF0]  }
0x25: {  	s20 =	simm.s32 $0x0;
	v1 =	vld [tilespmem:s18+$0x0]  }
0x26: {  	v3 =	vld [tilespmem:s18+$0x10];
	[tilespmem:v0+s20+$0x30 ss:$0x1] =	vst.idx.msk $0xffff, v2  }
0x27: {  	v5 =	vld [tilespmem:s18+$0x20];
	[tilespmem:v0+s20+$0xFFFFFFD0 ss:$0x1] =	vst.idx.msk $0xffff, v4  }
0x28: {  	s21 =	sadd.s32 $0x80, s18;
	v2 =	vld [tilespmem:s18+$0xFFFFFFC0];
	[tilespmem:v0+s20+$0xFFFFFFE0 ss:$0x1] =	vst.idx.msk $0xffff, v6  }
0x29: {  	s22 =	simm.s32 $0x800;
	s23 =	simm.s32 $0x1000;
	v4 =	vld [tilespmem:s21+$0x30];
	[tilespmem:v0+s20+$0xFFFFFFF0 ss:$0x1] =	vst.idx.msk $0xffff, v7  }
.LBB1_5:
0x2a: {  	p0 =	sne.s32 s23, $0x3800;
	v6 =	vld [tilespmem:s21+$0xFFFFFFD0];
	[tilespmem:v0+s20+$0x0 ss:$0x1] =	vst.idx.msk $0xffff, v1  }
0x2b: {  	v7 =	vld [tilespmem:s21+$0xFFFFFFE0];
	[tilespmem:v0+s20+$0x10 ss:$0x1] =	vst.idx.msk $0xffff, v3  }
0x2c: {  	v8 =	vld [tilespmem:s21+$0xFFFFFFF0];
	[tilespmem:v0+s20+$0x20 ss:$0x1] =	vst.idx.msk $0xffff, v5  }
.Ltmp3:
0x2d: {  	v1 =	vld [tilespmem:s21+$0x0];
	[tilespmem:v0+s20+$0xFFFFFFC0 ss:$0x1] =	vst.idx.msk $0xffff, v2;
	s20 =	sshra.s32 s22, $0x2;
	s22 =	smov.u32 s23;
	(pc) =	sbr.rel @p0 .LBB1_5-.Ltmp3, $4  }
0x2e: {  	v3 =	vld [tilespmem:s21+$0x10];
	[tilespmem:v0+s20+$0x30 ss:$0x1] =	vst.idx.msk $0xffff, v4  }
0x2f: {  	[tilespmem:v0+s20+$0xFFFFFFD0 ss:$0x1] =	vst.idx.msk $0xffff, v6;
	v5 =	vld [tilespmem:s21+$0x20]  }
0x30: {  	v2 =	vld [tilespmem:s21+$0xFFFFFFC0];
	[tilespmem:v0+s20+$0xFFFFFFE0 ss:$0x1] =	vst.idx.msk $0xffff, v7;
	s21 =	sadd.s32 $0x80, s21  }
0x31: {  	s23 =	sadd.s32 $0x800, s23;
	v4 =	vld [tilespmem:s21+$0x30];
	[tilespmem:v0+s20+$0xFFFFFFF0 ss:$0x1] =	vst.idx.msk $0xffff, v8  }
0x32: {  	_ =	sdelay $0x3  }
0x33: {  	v6 =	vld [tilespmem:s21+$0xFFFFFFD0];
	[tilespmem:v0+s20+$0x0 ss:$0x1] =	vst.idx.msk $0xffff, v1  }
0x34: {  	v58 =	vld [tilespmem:s21+$0xFFFFFFE0];
	[tilespmem:v0+s20+$0x10 ss:$0x1] =	vst.idx.msk $0xffff, v3  }
0x35: {  	v59 =	vld [tilespmem:s21+$0xFFFFFFF0];
	[tilespmem:v0+s20+$0x20 ss:$0x1] =	vst.idx.msk $0xffff, v5  }
0x36: {  	s22 =	sshra.s32 s22, $0x2;
	v60 =	vld [tilespmem:s21+$0x0];
	[tilespmem:v0+s20+$0xFFFFFFC0 ss:$0x1] =	vst.idx.msk $0xffff, v2  }
0x37: {  	v61 =	vld [tilespmem:s21+$0x10];
	[tilespmem:v0+s22+$0x30 ss:$0x1] =	vst.idx.msk $0xffff, v4  }
0x38: {  	v62 =	vld [tilespmem:s21+$0x20];
	s19 =	sadd.s32 $0x1, s19;
	[tilespmem:v0+s22+$0xFFFFFFD0 ss:$0x1] =	vst.idx.msk $0xffff, v6  }
0x39: {  	v63 =	vld [tilespmem:s21+$0xFFFFFFC0];
	p0 =	sne.s32 s19, $0x4;
	[tilespmem:v0+s22+$0xFFFFFFE0 ss:$0x1] =	vst.idx.msk $0xffff, v58  }
.Ltmp4:
0x3a: {  	[tilespmem:v0+s22+$0xFFFFFFF0 ss:$0x1] =	vst.idx.msk $0xffff, v59;
	(pc) =	sbr.rel @p0 .LBB1_4-.Ltmp4, $4  }
0x3b: {  	[tilespmem:v0+s22+$0x0 ss:$0x1] =	vst.idx.msk $0xffff, v60  }
0x3c: {  	[tilespmem:v0+s22+$0x10 ss:$0x1] =	vst.idx.msk $0xffff, v61  }
0x3d: {  	[tilespmem:v0+s22+$0x20 ss:$0x1] =	vst.idx.msk $0xffff, v62  }
0x3e: {  	s18 =	sadd.s32 $0x400, s18;
	s17 =	sadd.s32 $0x80, s17;
	[tilespmem:v0+s22+$0xFFFFFFC0 ss:$0x1] =	vst.idx.msk $0xffff, v63  }
0x3f: {  	s16 =	sadd.s32 $0x1, s16  }
0x40: {  	p0 =	sne.s32 s16, $0x4  }
.Ltmp5:
0x41: {  	_ = 	snop;
	(pc) =	sbr.rel @p0 .LBB1_3-.Ltmp5, $2  }
0x42: {  	_ =	sdelay $0x2  }
0x43: {  	s13 =	sadd.s32 $0x1000, s13;
	s14 =	sadd.s32 $0x1000, s14  }
.Ltmp6:
0x44: {  	(pc) =	sbr.rel .LBB1_9-.Ltmp6, $4  }
0x45: {  	_ = 	snop  }
0x46: {  	s12 =	sshll.u32 s12, $0x9  }
0x47: {  	s12 =	sadd.s32 s4, s12  }
0x48: {  	[hbm4b:s12+s8] =	stream.linear.scatter [tilespmem:s15], [sflag:$0x2], $0x4000, $0x38;
	[tilespmem:$0x10000] =	vst v63  }
.LBB1_10:
0x49: {  	_ =	sfence.sel $0x180000  }
0x4a: {  	s2 =	simm.s32 $0x1;
	[bflag:$0x0] =	sbarrier.arrive $0xFFFF  }
0x4b: {  	s31 =	simm.s32 $0x2;
	[sflag:s2] =	ssyncpa.u1 $0x1  }
0x4c: {  	[sflag:s31] =	ssyncpa.u1 $0x1  }
0x4d: {  	p0 =	sne.s32 s0, $0x0;
	_ =	strace $0x90000047  }
0x4e: {  	s0 =	sadd.s32 @!p0 $0x100000, s1;
	[bflag:$0x2] =	sbarrier.arrive $0xFFFF  }
0x4f: {  	[sflag:s0] =	ssyncadd.tile.s32 @!p0 $0x1;
	_ =	shalt  }
.Lfunc_end1:
_tile_overlayer_lowered:
.L_overlay_start_2:
0x50: {  	(tag) =	ssettag $0x2  }
0x51: {  	s0 =	rddreg [dreg:$0x0];
	s2 =	stileid.u32  }
0x52: {  	s1 =	rddreg [dreg:$0x1];
	p0 =	sne.s32 s2, $0x0  }
0x53: {  	s3 =	rddreg [dreg:$0x2];
	[bflag:$0x3] =	sbarrier.arrive $0xFFFF;
	s2 =	simm.s32 @!p0 $0x1C01  }
0x54: {  	[timem:s3], [sflag:s2] =	dma.local @!p0 [hbm:s0], s1  }
0x55: {  	s0 =	simm.s32 @!p0 $0x1  }
0x56: {  	_ =	swait.ge @!p0 [sflag:s0], s1  }
0x57: {  	s1 =	ssub.s32 @!p0 $0x0, s1;
	[sflag:s0] =	ssyncset.done @!p0 $0x0  }
0x58: {  	[sflag:s0] =	ssyncadd.s32 @!p0 s1  }
0x59: {  	[bflag:$0x3] =	sbarrier.arrive $0xFFFF  }
0x5a: {  	_ =	shalt  }

</sc_bundles>
